<compile_context>
chip_gen: v7x
topology: tpu7x:2x2x1
jax: 0.10.2.dev20260603
libtpu: 0.0.44.dev20260713+nightly
codegen_flags: <defaults>
</compile_context>

<pallas_src>
import functools

import jax
import jax.numpy as jnp
from jax import lax
from jax.experimental import pallas as pl
from jax.experimental.pallas import tpu as pltpu
from jax.experimental.pallas import tpu_sc as plsc

HIDDEN = 768
BATCH = 4
SEQ = 2048
ROWS = BATCH * SEQ
EPS = 1e-12

_info = plsc.get_sparse_core_info()
_NC, _NS = _info.num_cores, _info.num_subcores
_NW = _NC * _NS
_RPW = ROWS // _NW
_CH = 32
_NCH = _RPW // _CH
_NB = 4

_mesh = plsc.VectorSubcoreMesh(core_axis_name="c", subcore_axis_name="s")


@functools.partial(
    pl.kernel,
    mesh=_mesh,
    out_type=jax.ShapeDtypeStruct((ROWS, HIDDEN), jnp.float32),
    scratch_types=[
        pltpu.VMEM((_RPW,), jnp.int32),
        pltpu.VMEM((_NB, _CH, HIDDEN), jnp.float32),
        pltpu.SemaphoreType.DMA,
        pltpu.SemaphoreType.DMA,
    ],
)
def _gather_sc(table_hbm, ids_hbm, out_hbm, idx_v, buf_v, sem_g, sem_o):
    wid = lax.axis_index("s") * _NC + lax.axis_index("c")
    base = wid * _RPW
    pltpu.sync_copy(ids_hbm.at[pl.ds(base, _RPW)], idx_v)

    gathers = [None] * _NCH
    outs = [None] * _NCH

    def start_gather(c):
        gathers[c] = pltpu.async_copy(
            table_hbm.at[idx_v.at[pl.ds(c * _CH, _CH)]],
            buf_v.at[c % _NB], sem_g)

    for c in range(_NB - 1):
        start_gather(c)
    for c in range(_NCH):
        gathers[c].wait()
        outs[c] = pltpu.async_copy(
            buf_v.at[c % _NB], out_hbm.at[pl.ds(base + c * _CH, _CH)], sem_o)
        if c + _NB - 1 < _NCH:
            if c >= 1:
                outs[c - 1].wait()
            start_gather(c + _NB - 1)
    for c in range(_NCH - _NB, _NCH):
        outs[c].wait()


def _ln_body(pos_ref, gamma_ref, beta_ref, emb_ref, out_ref):
    x = emb_ref[...] + pos_ref[...]
    mean = jnp.mean(x, axis=1, keepdims=True)
    xc = x - mean
    var = jnp.mean(xc * xc, axis=1, keepdims=True)
    inv = lax.rsqrt(var + EPS)
    out_ref[...] = xc * inv * gamma_ref[...] + beta_ref[...]


def kernel(input_ids, token_table, pos_table, gamma, beta):
    ids = input_ids.reshape(-1).astype(jnp.int32)
    emb = _gather_sc(token_table, ids)
    r = 2048
    out = pl.pallas_call(
        _ln_body,
        grid=(SEQ // r, BATCH),
        in_specs=[
            pl.BlockSpec((r, HIDDEN), lambda j, b: (j, 0)),
            pl.BlockSpec((1, HIDDEN), lambda j, b: (0, 0)),
            pl.BlockSpec((1, HIDDEN), lambda j, b: (0, 0)),
            pl.BlockSpec((r, HIDDEN), lambda j, b: (b * (SEQ // r) + j, 0)),
        ],
        out_specs=pl.BlockSpec((r, HIDDEN), lambda j, b: (b * (SEQ // r) + j, 0)),
        out_shape=jax.ShapeDtypeStruct((ROWS, HIDDEN), jnp.float32),
    )(pos_table, gamma.reshape(1, HIDDEN), beta.reshape(1, HIDDEN), emb)
    return out.reshape(BATCH, SEQ, HIDDEN)

# --- scband reference (transcript-rebuilt; emitter-appended) ---
"""Pipeline reference for scband-ro-berta-embedding-16303695855716 (READ-ONLY COPY).

The authoritative reference and input builder live on the scoring server;
editing this copy changes nothing except your own understanding.
"""

import jax, jax.numpy as jnp
import numpy as np

VOCAB = 50265
HIDDEN = 768
MAX_POS = 2048
BATCH = 4
SEQ = 2048
EPS = 1e-12


def setup_inputs(seed: int = 0) -> dict:
    key = jax.random.key(seed)
    k1, k2, k3 = jax.random.split(key, 3)
    input_ids = jax.random.randint(k1, (BATCH, SEQ), 0, VOCAB, dtype=jnp.int64 if jax.config.jax_enable_x64 else jnp.int32)
    token_table = jax.random.normal(k2, (VOCAB, HIDDEN), dtype=jnp.float32) * 0.02
    pos_table = jax.random.normal(k3, (MAX_POS, HIDDEN), dtype=jnp.float32) * 0.02
    gamma = jnp.ones((HIDDEN,), dtype=jnp.float32)
    beta = jnp.zeros((HIDDEN,), dtype=jnp.float32)
    return {"input_ids": input_ids, "token_table": token_table, "pos_table": pos_table, "gamma": gamma, "beta": beta}


def reference(input_ids, token_table, pos_table, gamma, beta):
    seq_length = input_ids.shape[1]
    position_ids = jnp.arange(seq_length)  # broadcasts over batch like expand_as
    pos_embeds = jnp.take(pos_table, position_ids, axis=0)  # [S, H]
    token_embeds = jnp.take(token_table, input_ids, axis=0)  # [B, S, H]
    embeddings = token_embeds + pos_embeds[None, :, :]
    # dropout is identity in eval mode
    mean = jnp.mean(embeddings, axis=-1, keepdims=True)
    var = jnp.mean(jnp.square(embeddings - mean), axis=-1, keepdims=True)
    normed = (embeddings - mean) / jnp.sqrt(var + EPS)
    out = normed * gamma + beta
    return out

if __name__ == "__main__":
    import jax
    _d = setup_inputs()
    print(jax.jit(kernel)(*tuple(_d.values())))

</pallas_src>

<mosaic_0001>
#map = affine_map<(d0, d1) -> (0, 0)>
#map1 = affine_map<(d0, d1) -> (0)>
module attributes {stable_mosaic.version = 14 : i64} {
  func.func @_gather_sc(%arg0: i32, %arg1: i32, %arg2: memref<50265x768xf32, #tpu.memory_space<hbm>>, %arg3: memref<8192xi32, #tpu.memory_space<hbm>>, %arg4: memref<8192x768xf32, #tpu.memory_space<hbm>>, %arg5: memref<256xi32, #tpu.memory_space<vmem>>, %arg6: memref<4x32x768xf32, #tpu.memory_space<vmem>>, %arg7: memref<!tpu.dma_semaphore, #tpu.memory_space<semaphore_mem>>, %arg8: memref<!tpu.dma_semaphore, #tpu.memory_space<semaphore_mem>>) attributes {dimension_semantics = [#tpu.dimension_semantics<core_parallel>, #tpu.dimension_semantics<subcore_parallel>], iteration_bounds = array<i64: 2, 16>, scalar_prefetch = 0 : i64, scratch_operands = 4 : i64, tpu.core_type = #tpu.core_type<sc_vector_subcore>, window_params = [{transform_indices = #map}, {transform_indices = #map1}, {transform_indices = #map}]} {
    %mul3A = arith.constant 2 : i32
    %mul3A_0 = arith.muli %arg1, %mul3A : i32
    %add3A = arith.addi %mul3A_0, %arg0 : i32
    %mul3A_1 = arith.constant 256 : i32
    %mul3A_2 = arith.muli %add3A, %mul3A_1 : i32
    "tpu.region"() ({
      %run_scoped3A = tpu.sem_alloc : memref<!tpu.dma_semaphore, #tpu.memory_space<semaphore_mem>>
      %dma_start3A_385 = tpu.memref_slice %arg3[%mul3A_2] : memref<8192xi32, #tpu.memory_space<hbm>> -> memref<256xi32, #tpu.memory_space<hbm>>
      %dma_start3A_386 = tpu.memref_slice %arg3[%mul3A_2] : memref<8192xi32, #tpu.memory_space<hbm>> -> memref<256xi32, #tpu.memory_space<hbm>>
      tpu.enqueue_dma source(%dma_start3A_386 : memref<256xi32, #tpu.memory_space<hbm>>) target(%arg5 : memref<256xi32, #tpu.memory_space<vmem>>) target_semaphore(%run_scoped3A : memref<!tpu.dma_semaphore, #tpu.memory_space<semaphore_mem>>)
      %dma_wait3A_387 = tpu.memref_slice %arg3[%mul3A_2] : memref<8192xi32, #tpu.memory_space<hbm>> -> memref<256xi32, #tpu.memory_space<hbm>>
      %dma_wait3A_388 = tpu.memref_slice %arg3[%mul3A_2] : memref<8192xi32, #tpu.memory_space<hbm>> -> memref<256xi32, #tpu.memory_space<hbm>>
      tpu.wait_dma2 semaphore(%run_scoped3A : memref<!tpu.dma_semaphore, #tpu.memory_space<semaphore_mem>>) src(%dma_wait3A_388 : memref<256xi32, #tpu.memory_space<hbm>>) dst(%arg5 : memref<256xi32, #tpu.memory_space<vmem>>)
      tpu.yield
    }) : () -> ()
    %dma_start3A = arith.constant 0 : i32
    %dma_start3A_3 = arith.constant 0 : i32
    %dma_start3A_4 = arith.constant 0 : i32
    %dma_start3A_5 = tpu.memref_slice %arg6[%dma_start3A, %dma_start3A_3, %dma_start3A_4] : memref<4x32x768xf32, #tpu.memory_space<vmem>> -> memref<1x32x768xf32, #tpu.memory_space<vmem>>
    %dma_start3A_6 = tpu.memref_squeeze %dma_start3A_5 : memref<1x32x768xf32, #tpu.memory_space<vmem>> -> memref<32x768xf32, #tpu.memory_space<vmem>>
    %dma_start3A_7 = arith.constant 0 : i32
    %dma_start3A_8 = tpu.memref_slice %arg5[%dma_start3A_7] : memref<256xi32, #tpu.memory_space<vmem>> -> memref<32xi32, #tpu.memory_space<vmem>>
    %dma_start3A_9 = arith.constant 0 : i32
    %dma_start3A_10 = arith.constant 0 : i32
    %dma_start3A_11 = tpu.memref_slice %arg2[%dma_start3A_9, %dma_start3A_10] : memref<50265x768xf32, #tpu.memory_space<hbm>> -> memref<50265x768xf32, #tpu.memory_space<hbm>>
    tpu.enqueue_indirect_dma source(%dma_start3A_11 : memref<50265x768xf32, #tpu.memory_space<hbm>>) target(%dma_start3A_6 : memref<32x768xf32, #tpu.memory_space<vmem>>) offsets(%dma_start3A_8 : memref<32xi32, #tpu.memory_space<vmem>>) semaphore(%arg7 : memref<!tpu.dma_semaphore, #tpu.memory_space<semaphore_mem>>)
    %dma_start3A_12 = arith.constant 1 : i32
    %dma_start3A_13 = arith.constant 0 : i32
    %dma_start3A_14 = arith.constant 0 : i32
    %dma_start3A_15 = tpu.memref_slice %arg6[%dma_start3A_12, %dma_start3A_13, %dma_start3A_14] : memref<4x32x768xf32, #tpu.memory_space<vmem>> -> memref<1x32x768xf32, #tpu.memory_space<vmem>>
    %dma_start3A_16 = tpu.memref_squeeze %dma_start3A_15 : memref<1x32x768xf32, #tpu.memory_space<vmem>> -> memref<32x768xf32, #tpu.memory_space<vmem>>
    %dma_start3A_17 = arith.constant 32 : i32
    %dma_start3A_18 = tpu.memref_slice %arg5[%dma_start3A_17] : memref<256xi32, #tpu.memory_space<vmem>> -> memref<32xi32, #tpu.memory_space<vmem>>
    %dma_start3A_19 = arith.constant 0 : i32
    %dma_start3A_20 = arith.constant 0 : i32
    %dma_start3A_21 = tpu.memref_slice %arg2[%dma_start3A_19, %dma_start3A_20] : memref<50265x768xf32, #tpu.memory_space<hbm>> -> memref<50265x768xf32, #tpu.memory_space<hbm>>
    tpu.enqueue_indirect_dma source(%dma_start3A_21 : memref<50265x768xf32, #tpu.memory_space<hbm>>) target(%dma_start3A_16 : memref<32x768xf32, #tpu.memory_space<vmem>>) offsets(%dma_start3A_18 : memref<32xi32, #tpu.memory_space<vmem>>) semaphore(%arg7 : memref<!tpu.dma_semaphore, #tpu.memory_space<semaphore_mem>>)
    %dma_start3A_22 = arith.constant 2 : i32
    %dma_start3A_23 = arith.constant 0 : i32
    %dma_start3A_24 = arith.constant 0 : i32
    %dma_start3A_25 = tpu.memref_slice %arg6[%dma_start3A_22, %dma_start3A_23, %dma_start3A_24] : memref<4x32x768xf32, #tpu.memory_space<vmem>> -> memref<1x32x768xf32, #tpu.memory_space<vmem>>
    %dma_start3A_26 = tpu.memref_squeeze %dma_start3A_25 : memref<1x32x768xf32, #tpu.memory_space<vmem>> -> memref<32x768xf32, #tpu.memory_space<vmem>>
    %dma_start3A_27 = arith.constant 64 : i32
    %dma_start3A_28 = tpu.memref_slice %arg5[%dma_start3A_27] : memref<256xi32, #tpu.memory_space<vmem>> -> memref<32xi32, #tpu.memory_space<vmem>>
    %dma_start3A_29 = arith.constant 0 : i32
    %dma_start3A_30 = arith.constant 0 : i32
    %dma_start3A_31 = tpu.memref_slice %arg2[%dma_start3A_29, %dma_start3A_30] : memref<50265x768xf32, #tpu.memory_space<hbm>> -> memref<50265x768xf32, #tpu.memory_space<hbm>>
    tpu.enqueue_indirect_dma source(%dma_start3A_31 : memref<50265x768xf32, #tpu.memory_space<hbm>>) target(%dma_start3A_26 : memref<32x768xf32, #tpu.memory_space<vmem>>) offsets(%dma_start3A_28 : memref<32xi32, #tpu.memory_space<vmem>>) semaphore(%arg7 : memref<!tpu.dma_semaphore, #tpu.memory_space<semaphore_mem>>)
    %dma_wait3A = arith.constant 0 : i32
    %dma_wait3A_32 = arith.constant 0 : i32
    %dma_wait3A_33 = arith.constant 0 : i32
    %dma_wait3A_34 = tpu.memref_slice %arg6[%dma_wait3A, %dma_wait3A_32, %dma_wait3A_33] : memref<4x32x768xf32, #tpu.memory_space<vmem>> -> memref<1x32x768xf32, #tpu.memory_space<vmem>>
    %dma_wait3A_35 = tpu.memref_squeeze %dma_wait3A_34 : memref<1x32x768xf32, #tpu.memory_space<vmem>> -> memref<32x768xf32, #tpu.memory_space<vmem>>
    %dma_wait3A_36 = arith.constant 0 : i32
    %dma_wait3A_37 = tpu.memref_slice %arg5[%dma_wait3A_36] : memref<256xi32, #tpu.memory_space<vmem>> -> memref<32xi32, #tpu.memory_space<vmem>>
    %dma_wait3A_38 = arith.constant 0 : i32
    %dma_wait3A_39 = arith.constant 0 : i32
    %dma_wait3A_40 = tpu.memref_slice %arg2[%dma_wait3A_38, %dma_wait3A_39] : memref<50265x768xf32, #tpu.memory_space<hbm>> -> memref<50265x768xf32, #tpu.memory_space<hbm>>
    tpu.wait_indirect_dma semaphore(%arg7 : memref<!tpu.dma_semaphore, #tpu.memory_space<semaphore_mem>>) src(%dma_wait3A_40 : memref<50265x768xf32, #tpu.memory_space<hbm>>) dst(%dma_wait3A_35 : memref<32x768xf32, #tpu.memory_space<vmem>>)
    %add3A_41 = arith.constant 0 : i32
    %add3A_42 = arith.addi %mul3A_2, %add3A_41 : i32
    %dma_start3A_43 = arith.constant 0 : i32
    %dma_start3A_44 = arith.constant 0 : i32
    %dma_start3A_45 = arith.constant 0 : i32
    %dma_start3A_46 = tpu.memref_slice %arg6[%dma_start3A_43, %dma_start3A_44, %dma_start3A_45] : memref<4x32x768xf32, #tpu.memory_space<vmem>> -> memref<1x32x768xf32, #tpu.memory_space<vmem>>
    %dma_start3A_47 = tpu.memref_squeeze %dma_start3A_46 : memref<1x32x768xf32, #tpu.memory_space<vmem>> -> memref<32x768xf32, #tpu.memory_space<vmem>>
    %dma_start3A_48 = arith.constant 0 : i32
    %dma_start3A_49 = tpu.memref_slice %arg4[%add3A_42, %dma_start3A_48] : memref<8192x768xf32, #tpu.memory_space<hbm>> -> memref<32x768xf32, #tpu.memory_space<hbm>>
    %dma_start3A_50 = arith.constant 0 : i32
    %dma_start3A_51 = tpu.memref_slice %arg4[%add3A_42, %dma_start3A_50] : memref<8192x768xf32, #tpu.memory_space<hbm>> -> memref<32x768xf32, #tpu.memory_space<hbm>>
    %dma_start3A_52 = arith.constant 0 : i32
    %dma_start3A_53 = arith.constant 0 : i32
    %dma_start3A_54 = tpu.memref_slice %arg6[%dma_start3A_43, %dma_start3A_52, %dma_start3A_53] : memref<4x32x768xf32, #tpu.memory_space<vmem>> -> memref<1x32x768xf32, #tpu.memory_space<vmem>>
    %dma_start3A_55 = tpu.memref_squeeze %dma_start3A_54 : memref<1x32x768xf32, #tpu.memory_space<vmem>> -> memref<32x768xf32, #tpu.memory_space<vmem>>
    tpu.enqueue_dma source(%dma_start3A_55 : memref<32x768xf32, #tpu.memory_space<vmem>>) target(%dma_start3A_51 : memref<32x768xf32, #tpu.memory_space<hbm>>) target_semaphore(%arg8 : memref<!tpu.dma_semaphore, #tpu.memory_space<semaphore_mem>>)
    %dma_start3A_56 = arith.constant 3 : i32
    %dma_start3A_57 = arith.constant 0 : i32
    %dma_start3A_58 = arith.constant 0 : i32
    %dma_start3A_59 = tpu.memref_slice %arg6[%dma_start3A_56, %dma_start3A_57, %dma_start3A_58] : memref<4x32x768xf32, #tpu.memory_space<vmem>> -> memref<1x32x768xf32, #tpu.memory_space<vmem>>
    %dma_start3A_60 = tpu.memref_squeeze %dma_start3A_59 : memref<1x32x768xf32, #tpu.memory_space<vmem>> -> memref<32x768xf32, #tpu.memory_space<vmem>>
    %dma_start3A_61 = arith.constant 96 : i32
    %dma_start3A_62 = tpu.memref_slice %arg5[%dma_start3A_61] : memref<256xi32, #tpu.memory_space<vmem>> -> memref<32xi32, #tpu.memory_space<vmem>>
    %dma_start3A_63 = arith.constant 0 : i32
    %dma_start3A_64 = arith.constant 0 : i32
    %dma_start3A_65 = tpu.memref_slice %arg2[%dma_start3A_63, %dma_start3A_64] : memref<50265x768xf32, #tpu.memory_space<hbm>> -> memref<50265x768xf32, #tpu.memory_space<hbm>>
    tpu.enqueue_indirect_dma source(%dma_start3A_65 : memref<50265x768xf32, #tpu.memory_space<hbm>>) target(%dma_start3A_60 : memref<32x768xf32, #tpu.memory_space<vmem>>) offsets(%dma_start3A_62 : memref<32xi32, #tpu.memory_space<vmem>>) semaphore(%arg7 : memref<!tpu.dma_semaphore, #tpu.memory_space<semaphore_mem>>)
    %dma_wait3A_66 = arith.constant 1 : i32
    %dma_wait3A_67 = arith.constant 0 : i32
    %dma_wait3A_68 = arith.constant 0 : i32
    %dma_wait3A_69 = tpu.memref_slice %arg6[%dma_wait3A_66, %dma_wait3A_67, %dma_wait3A_68] : memref<4x32x768xf32, #tpu.memory_space<vmem>> -> memref<1x32x768xf32, #tpu.memory_space<vmem>>
    %dma_wait3A_70 = tpu.memref_squeeze %dma_wait3A_69 : memref<1x32x768xf32, #tpu.memory_space<vmem>> -> memref<32x768xf32, #tpu.memory_space<vmem>>
    %dma_wait3A_71 = arith.constant 32 : i32
    %dma_wait3A_72 = tpu.memref_slice %arg5[%dma_wait3A_71] : memref<256xi32, #tpu.memory_space<vmem>> -> memref<32xi32, #tpu.memory_space<vmem>>
    %dma_wait3A_73 = arith.constant 0 : i32
    %dma_wait3A_74 = arith.constant 0 : i32
    %dma_wait3A_75 = tpu.memref_slice %arg2[%dma_wait3A_73, %dma_wait3A_74] : memref<50265x768xf32, #tpu.memory_space<hbm>> -> memref<50265x768xf32, #tpu.memory_space<hbm>>
    tpu.wait_indirect_dma semaphore(%arg7 : memref<!tpu.dma_semaphore, #tpu.memory_space<semaphore_mem>>) src(%dma_wait3A_75 : memref<50265x768xf32, #tpu.memory_space<hbm>>) dst(%dma_wait3A_70 : memref<32x768xf32, #tpu.memory_space<vmem>>)
    %add3A_76 = arith.constant 32 : i32
    %add3A_77 = arith.addi %mul3A_2, %add3A_76 : i32
    %dma_start3A_78 = arith.constant 1 : i32
    %dma_start3A_79 = arith.constant 0 : i32
    %dma_start3A_80 = arith.constant 0 : i32
    %dma_start3A_81 = tpu.memref_slice %arg6[%dma_start3A_78, %dma_start3A_79, %dma_start3A_80] : memref<4x32x768xf32, #tpu.memory_space<vmem>> -> memref<1x32x768xf32, #tpu.memory_space<vmem>>
    %dma_start3A_82 = tpu.memref_squeeze %dma_start3A_81 : memref<1x32x768xf32, #tpu.memory_space<vmem>> -> memref<32x768xf32, #tpu.memory_space<vmem>>
    %dma_start3A_83 = arith.constant 0 : i32
    %dma_start3A_84 = tpu.memref_slice %arg4[%add3A_77, %dma_start3A_83] : memref<8192x768xf32, #tpu.memory_space<hbm>> -> memref<32x768xf32, #tpu.memory_space<hbm>>
    %dma_start3A_85 = arith.constant 0 : i32
    %dma_start3A_86 = tpu.memref_slice %arg4[%add3A_77, %dma_start3A_85] : memref<8192x768xf32, #tpu.memory_space<hbm>> -> memref<32x768xf32, #tpu.memory_space<hbm>>
    %dma_start3A_87 = arith.constant 0 : i32
    %dma_start3A_88 = arith.constant 0 : i32
    %dma_start3A_89 = tpu.memref_slice %arg6[%dma_start3A_78, %dma_start3A_87, %dma_start3A_88] : memref<4x32x768xf32, #tpu.memory_space<vmem>> -> memref<1x32x768xf32, #tpu.memory_space<vmem>>
    %dma_start3A_90 = tpu.memref_squeeze %dma_start3A_89 : memref<1x32x768xf32, #tpu.memory_space<vmem>> -> memref<32x768xf32, #tpu.memory_space<vmem>>
    tpu.enqueue_dma source(%dma_start3A_90 : memref<32x768xf32, #tpu.memory_space<vmem>>) target(%dma_start3A_86 : memref<32x768xf32, #tpu.memory_space<hbm>>) target_semaphore(%arg8 : memref<!tpu.dma_semaphore, #tpu.memory_space<semaphore_mem>>)
    %dma_wait3A_91 = arith.constant 0 : i32
    %dma_wait3A_92 = arith.constant 0 : i32
    %dma_wait3A_93 = arith.constant 0 : i32
    %dma_wait3A_94 = tpu.memref_slice %arg6[%dma_wait3A_91, %dma_wait3A_92, %dma_wait3A_93] : memref<4x32x768xf32, #tpu.memory_space<vmem>> -> memref<1x32x768xf32, #tpu.memory_space<vmem>>
    %dma_wait3A_95 = tpu.memref_squeeze %dma_wait3A_94 : memref<1x32x768xf32, #tpu.memory_space<vmem>> -> memref<32x768xf32, #tpu.memory_space<vmem>>
    %dma_wait3A_96 = arith.constant 0 : i32
    %dma_wait3A_97 = tpu.memref_slice %arg4[%add3A_42, %dma_wait3A_96] : memref<8192x768xf32, #tpu.memory_space<hbm>> -> memref<32x768xf32, #tpu.memory_space<hbm>>
    %dma_wait3A_98 = arith.constant 0 : i32
    %dma_wait3A_99 = tpu.memref_slice %arg4[%add3A_42, %dma_wait3A_98] : memref<8192x768xf32, #tpu.memory_space<hbm>> -> memref<32x768xf32, #tpu.memory_space<hbm>>
    %dma_wait3A_100 = arith.constant 0 : i32
    %dma_wait3A_101 = arith.constant 0 : i32
    %dma_wait3A_102 = tpu.memref_slice %arg6[%dma_wait3A_91, %dma_wait3A_100, %dma_wait3A_101] : memref<4x32x768xf32, #tpu.memory_space<vmem>> -> memref<1x32x768xf32, #tpu.memory_space<vmem>>
    %dma_wait3A_103 = tpu.memref_squeeze %dma_wait3A_102 : memref<1x32x768xf32, #tpu.memory_space<vmem>> -> memref<32x768xf32, #tpu.memory_space<vmem>>
    tpu.wait_dma2 semaphore(%arg8 : memref<!tpu.dma_semaphore, #tpu.memory_space<semaphore_mem>>) src(%dma_wait3A_103 : memref<32x768xf32, #tpu.memory_space<vmem>>) dst(%dma_wait3A_99 : memref<32x768xf32, #tpu.memory_space<hbm>>)
    %dma_start3A_104 = arith.constant 0 : i32
    %dma_start3A_105 = arith.constant 0 : i32
    %dma_start3A_106 = arith.constant 0 : i32
    %dma_start3A_107 = tpu.memref_slice %arg6[%dma_start3A_104, %dma_start3A_105, %dma_start3A_106] : memref<4x32x768xf32, #tpu.memory_space<vmem>> -> memref<1x32x768xf32, #tpu.memory_space<vmem>>
    %dma_start3A_108 = tpu.memref_squeeze %dma_start3A_107 : memref<1x32x768xf32, #tpu.memory_space<vmem>> -> memref<32x768xf32, #tpu.memory_space<vmem>>
    %dma_start3A_109 = arith.constant 128 : i32
    %dma_start3A_110 = tpu.memref_slice %arg5[%dma_start3A_109] : memref<256xi32, #tpu.memory_space<vmem>> -> memref<32xi32, #tpu.memory_space<vmem>>
    %dma_start3A_111 = arith.constant 0 : i32
    %dma_start3A_112 = arith.constant 0 : i32
    %dma_start3A_113 = tpu.memref_slice %arg2[%dma_start3A_111, %dma_start3A_112] : memref<50265x768xf32, #tpu.memory_space<hbm>> -> memref<50265x768xf32, #tpu.memory_space<hbm>>
    tpu.enqueue_indirect_dma source(%dma_start3A_113 : memref<50265x768xf32, #tpu.memory_space<hbm>>) target(%dma_start3A_108 : memref<32x768xf32, #tpu.memory_space<vmem>>) offsets(%dma_start3A_110 : memref<32xi32, #tpu.memory_space<vmem>>) semaphore(%arg7 : memref<!tpu.dma_semaphore, #tpu.memory_space<semaphore_mem>>)
    %dma_wait3A_114 = arith.constant 2 : i32
    %dma_wait3A_115 = arith.constant 0 : i32
    %dma_wait3A_116 = arith.constant 0 : i32
    %dma_wait3A_117 = tpu.memref_slice %arg6[%dma_wait3A_114, %dma_wait3A_115, %dma_wait3A_116] : memref<4x32x768xf32, #tpu.memory_space<vmem>> -> memref<1x32x768xf32, #tpu.memory_space<vmem>>
    %dma_wait3A_118 = tpu.memref_squeeze %dma_wait3A_117 : memref<1x32x768xf32, #tpu.memory_space<vmem>> -> memref<32x768xf32, #tpu.memory_space<vmem>>
    %dma_wait3A_119 = arith.constant 64 : i32
    %dma_wait3A_120 = tpu.memref_slice %arg5[%dma_wait3A_119] : memref<256xi32, #tpu.memory_space<vmem>> -> memref<32xi32, #tpu.memory_space<vmem>>
    %dma_wait3A_121 = arith.constant 0 : i32
    %dma_wait3A_122 = arith.constant 0 : i32
    %dma_wait3A_123 = tpu.memref_slice %arg2[%dma_wait3A_121, %dma_wait3A_122] : memref<50265x768xf32, #tpu.memory_space<hbm>> -> memref<50265x768xf32, #tpu.memory_space<hbm>>
    tpu.wait_indirect_dma semaphore(%arg7 : memref<!tpu.dma_semaphore, #tpu.memory_space<semaphore_mem>>) src(%dma_wait3A_123 : memref<50265x768xf32, #tpu.memory_space<hbm>>) dst(%dma_wait3A_118 : memref<32x768xf32, #tpu.memory_space<vmem>>)
    %add3A_124 = arith.constant 64 : i32
    %add3A_125 = arith.addi %mul3A_2, %add3A_124 : i32
    %dma_start3A_126 = arith.constant 2 : i32
    %dma_start3A_127 = arith.constant 0 : i32
    %dma_start3A_128 = arith.constant 0 : i32
    %dma_start3A_129 = tpu.memref_slice %arg6[%dma_start3A_126, %dma_start3A_127, %dma_start3A_128] : memref<4x32x768xf32, #tpu.memory_space<vmem>> -> memref<1x32x768xf32, #tpu.memory_space<vmem>>
    %dma_start3A_130 = tpu.memref_squeeze %dma_start3A_129 : memref<1x32x768xf32, #tpu.memory_space<vmem>> -> memref<32x768xf32, #tpu.memory_space<vmem>>
    %dma_start3A_131 = arith.constant 0 : i32
    %dma_start3A_132 = tpu.memref_slice %arg4[%add3A_125, %dma_start3A_131] : memref<8192x768xf32, #tpu.memory_space<hbm>> -> memref<32x768xf32, #tpu.memory_space<hbm>>
    %dma_start3A_133 = arith.constant 0 : i32
    %dma_start3A_134 = tpu.memref_slice %arg4[%add3A_125, %dma_start3A_133] : memref<8192x768xf32, #tpu.memory_space<hbm>> -> memref<32x768xf32, #tpu.memory_space<hbm>>
    %dma_start3A_135 = arith.constant 0 : i32
    %dma_start3A_136 = arith.constant 0 : i32
    %dma_start3A_137 = tpu.memref_slice %arg6[%dma_start3A_126, %dma_start3A_135, %dma_start3A_136] : memref<4x32x768xf32, #tpu.memory_space<vmem>> -> memref<1x32x768xf32, #tpu.memory_space<vmem>>
    %dma_start3A_138 = tpu.memref_squeeze %dma_start3A_137 : memref<1x32x768xf32, #tpu.memory_space<vmem>> -> memref<32x768xf32, #tpu.memory_space<vmem>>
    tpu.enqueue_dma source(%dma_start3A_138 : memref<32x768xf32, #tpu.memory_space<vmem>>) target(%dma_start3A_134 : memref<32x768xf32, #tpu.memory_space<hbm>>) target_semaphore(%arg8 : memref<!tpu.dma_semaphore, #tpu.memory_space<semaphore_mem>>)
    %dma_wait3A_139 = arith.constant 1 : i32
    %dma_wait3A_140 = arith.constant 0 : i32
    %dma_wait3A_141 = arith.constant 0 : i32
    %dma_wait3A_142 = tpu.memref_slice %arg6[%dma_wait3A_139, %dma_wait3A_140, %dma_wait3A_141] : memref<4x32x768xf32, #tpu.memory_space<vmem>> -> memref<1x32x768xf32, #tpu.memory_space<vmem>>
    %dma_wait3A_143 = tpu.memref_squeeze %dma_wait3A_142 : memref<1x32x768xf32, #tpu.memory_space<vmem>> -> memref<32x768xf32, #tpu.memory_space<vmem>>
    %dma_wait3A_144 = arith.constant 0 : i32
    %dma_wait3A_145 = tpu.memref_slice %arg4[%add3A_77, %dma_wait3A_144] : memref<8192x768xf32, #tpu.memory_space<hbm>> -> memref<32x768xf32, #tpu.memory_space<hbm>>
    %dma_wait3A_146 = arith.constant 0 : i32
    %dma_wait3A_147 = tpu.memref_slice %arg4[%add3A_77, %dma_wait3A_146] : memref<8192x768xf32, #tpu.memory_space<hbm>> -> memref<32x768xf32, #tpu.memory_space<hbm>>
    %dma_wait3A_148 = arith.constant 0 : i32
    %dma_wait3A_149 = arith.constant 0 : i32
    %dma_wait3A_150 = tpu.memref_slice %arg6[%dma_wait3A_139, %dma_wait3A_148, %dma_wait3A_149] : memref<4x32x768xf32, #tpu.memory_space<vmem>> -> memref<1x32x768xf32, #tpu.memory_space<vmem>>
    %dma_wait3A_151 = tpu.memref_squeeze %dma_wait3A_150 : memref<1x32x768xf32, #tpu.memory_space<vmem>> -> memref<32x768xf32, #tpu.memory_space<vmem>>
    tpu.wait_dma2 semaphore(%arg8 : memref<!tpu.dma_semaphore, #tpu.memory_space<semaphore_mem>>) src(%dma_wait3A_151 : memref<32x768xf32, #tpu.memory_space<vmem>>) dst(%dma_wait3A_147 : memref<32x768xf32, #tpu.memory_space<hbm>>)
    %dma_start3A_152 = arith.constant 1 : i32
    %dma_start3A_153 = arith.constant 0 : i32
    %dma_start3A_154 = arith.constant 0 : i32
    %dma_start3A_155 = tpu.memref_slice %arg6[%dma_start3A_152, %dma_start3A_153, %dma_start3A_154] : memref<4x32x768xf32, #tpu.memory_space<vmem>> -> memref<1x32x768xf32, #tpu.memory_space<vmem>>
    %dma_start3A_156 = tpu.memref_squeeze %dma_start3A_155 : memref<1x32x768xf32, #tpu.memory_space<vmem>> -> memref<32x768xf32, #tpu.memory_space<vmem>>
    %dma_start3A_157 = arith.constant 160 : i32
    %dma_start3A_158 = tpu.memref_slice %arg5[%dma_start3A_157] : memref<256xi32, #tpu.memory_space<vmem>> -> memref<32xi32, #tpu.memory_space<vmem>>
    %dma_start3A_159 = arith.constant 0 : i32
    %dma_start3A_160 = arith.constant 0 : i32
    %dma_start3A_161 = tpu.memref_slice %arg2[%dma_start3A_159, %dma_start3A_160] : memref<50265x768xf32, #tpu.memory_space<hbm>> -> memref<50265x768xf32, #tpu.memory_space<hbm>>
    tpu.enqueue_indirect_dma source(%dma_start3A_161 : memref<50265x768xf32, #tpu.memory_space<hbm>>) target(%dma_start3A_156 : memref<32x768xf32, #tpu.memory_space<vmem>>) offsets(%dma_start3A_158 : memref<32xi32, #tpu.memory_space<vmem>>) semaphore(%arg7 : memref<!tpu.dma_semaphore, #tpu.memory_space<semaphore_mem>>)
    %dma_wait3A_162 = arith.constant 3 : i32
    %dma_wait3A_163 = arith.constant 0 : i32
    %dma_wait3A_164 = arith.constant 0 : i32
    %dma_wait3A_165 = tpu.memref_slice %arg6[%dma_wait3A_162, %dma_wait3A_163, %dma_wait3A_164] : memref<4x32x768xf32, #tpu.memory_space<vmem>> -> memref<1x32x768xf32, #tpu.memory_space<vmem>>
    %dma_wait3A_166 = tpu.memref_squeeze %dma_wait3A_165 : memref<1x32x768xf32, #tpu.memory_space<vmem>> -> memref<32x768xf32, #tpu.memory_space<vmem>>
    %dma_wait3A_167 = arith.constant 96 : i32
    %dma_wait3A_168 = tpu.memref_slice %arg5[%dma_wait3A_167] : memref<256xi32, #tpu.memory_space<vmem>> -> memref<32xi32, #tpu.memory_space<vmem>>
    %dma_wait3A_169 = arith.constant 0 : i32
    %dma_wait3A_170 = arith.constant 0 : i32
    %dma_wait3A_171 = tpu.memref_slice %arg2[%dma_wait3A_169, %dma_wait3A_170] : memref<50265x768xf32, #tpu.memory_space<hbm>> -> memref<50265x768xf32, #tpu.memory_space<hbm>>
    tpu.wait_indirect_dma semaphore(%arg7 : memref<!tpu.dma_semaphore, #tpu.memory_space<semaphore_mem>>) src(%dma_wait3A_171 : memref<50265x768xf32, #tpu.memory_space<hbm>>) dst(%dma_wait3A_166 : memref<32x768xf32, #tpu.memory_space<vmem>>)
    %add3A_172 = arith.constant 96 : i32
    %add3A_173 = arith.addi %mul3A_2, %add3A_172 : i32
    %dma_start3A_174 = arith.constant 3 : i32
    %dma_start3A_175 = arith.constant 0 : i32
    %dma_start3A_176 = arith.constant 0 : i32
    %dma_start3A_177 = tpu.memref_slice %arg6[%dma_start3A_174, %dma_start3A_175, %dma_start3A_176] : memref<4x32x768xf32, #tpu.memory_space<vmem>> -> memref<1x32x768xf32, #tpu.memory_space<vmem>>
    %dma_start3A_178 = tpu.memref_squeeze %dma_start3A_177 : memref<1x32x768xf32, #tpu.memory_space<vmem>> -> memref<32x768xf32, #tpu.memory_space<vmem>>
    %dma_start3A_179 = arith.constant 0 : i32
    %dma_start3A_180 = tpu.memref_slice %arg4[%add3A_173, %dma_start3A_179] : memref<8192x768xf32, #tpu.memory_space<hbm>> -> memref<32x768xf32, #tpu.memory_space<hbm>>
    %dma_start3A_181 = arith.constant 0 : i32
    %dma_start3A_182 = tpu.memref_slice %arg4[%add3A_173, %dma_start3A_181] : memref<8192x768xf32, #tpu.memory_space<hbm>> -> memref<32x768xf32, #tpu.memory_space<hbm>>
    %dma_start3A_183 = arith.constant 0 : i32
    %dma_start3A_184 = arith.constant 0 : i32
    %dma_start3A_185 = tpu.memref_slice %arg6[%dma_start3A_174, %dma_start3A_183, %dma_start3A_184] : memref<4x32x768xf32, #tpu.memory_space<vmem>> -> memref<1x32x768xf32, #tpu.memory_space<vmem>>
    %dma_start3A_186 = tpu.memref_squeeze %dma_start3A_185 : memref<1x32x768xf32, #tpu.memory_space<vmem>> -> memref<32x768xf32, #tpu.memory_space<vmem>>
    tpu.enqueue_dma source(%dma_start3A_186 : memref<32x768xf32, #tpu.memory_space<vmem>>) target(%dma_start3A_182 : memref<32x768xf32, #tpu.memory_space<hbm>>) target_semaphore(%arg8 : memref<!tpu.dma_semaphore, #tpu.memory_space<semaphore_mem>>)
    %dma_wait3A_187 = arith.constant 2 : i32
    %dma_wait3A_188 = arith.constant 0 : i32
    %dma_wait3A_189 = arith.constant 0 : i32
    %dma_wait3A_190 = tpu.memref_slice %arg6[%dma_wait3A_187, %dma_wait3A_188, %dma_wait3A_189] : memref<4x32x768xf32, #tpu.memory_space<vmem>> -> memref<1x32x768xf32, #tpu.memory_space<vmem>>
    %dma_wait3A_191 = tpu.memref_squeeze %dma_wait3A_190 : memref<1x32x768xf32, #tpu.memory_space<vmem>> -> memref<32x768xf32, #tpu.memory_space<vmem>>
    %dma_wait3A_192 = arith.constant 0 : i32
    %dma_wait3A_193 = tpu.memref_slice %arg4[%add3A_125, %dma_wait3A_192] : memref<8192x768xf32, #tpu.memory_space<hbm>> -> memref<32x768xf32, #tpu.memory_space<hbm>>
    %dma_wait3A_194 = arith.constant 0 : i32
    %dma_wait3A_195 = tpu.memref_slice %arg4[%add3A_125, %dma_wait3A_194] : memref<8192x768xf32, #tpu.memory_space<hbm>> -> memref<32x768xf32, #tpu.memory_space<hbm>>
    %dma_wait3A_196 = arith.constant 0 : i32
    %dma_wait3A_197 = arith.constant 0 : i32
    %dma_wait3A_198 = tpu.memref_slice %arg6[%dma_wait3A_187, %dma_wait3A_196, %dma_wait3A_197] : memref<4x32x768xf32, #tpu.memory_space<vmem>> -> memref<1x32x768xf32, #tpu.memory_space<vmem>>
    %dma_wait3A_199 = tpu.memref_squeeze %dma_wait3A_198 : memref<1x32x768xf32, #tpu.memory_space<vmem>> -> memref<32x768xf32, #tpu.memory_space<vmem>>
    tpu.wait_dma2 semaphore(%arg8 : memref<!tpu.dma_semaphore, #tpu.memory_space<semaphore_mem>>) src(%dma_wait3A_199 : memref<32x768xf32, #tpu.memory_space<vmem>>) dst(%dma_wait3A_195 : memref<32x768xf32, #tpu.memory_space<hbm>>)
    %dma_start3A_200 = arith.constant 2 : i32
    %dma_start3A_201 = arith.constant 0 : i32
    %dma_start3A_202 = arith.constant 0 : i32
    %dma_start3A_203 = tpu.memref_slice %arg6[%dma_start3A_200, %dma_start3A_201, %dma_start3A_202] : memref<4x32x768xf32, #tpu.memory_space<vmem>> -> memref<1x32x768xf32, #tpu.memory_space<vmem>>
    %dma_start3A_204 = tpu.memref_squeeze %dma_start3A_203 : memref<1x32x768xf32, #tpu.memory_space<vmem>> -> memref<32x768xf32, #tpu.memory_space<vmem>>
    %dma_start3A_205 = arith.constant 192 : i32
    %dma_start3A_206 = tpu.memref_slice %arg5[%dma_start3A_205] : memref<256xi32, #tpu.memory_space<vmem>> -> memref<32xi32, #tpu.memory_space<vmem>>
    %dma_start3A_207 = arith.constant 0 : i32
    %dma_start3A_208 = arith.constant 0 : i32
    %dma_start3A_209 = tpu.memref_slice %arg2[%dma_start3A_207, %dma_start3A_208] : memref<50265x768xf32, #tpu.memory_space<hbm>> -> memref<50265x768xf32, #tpu.memory_space<hbm>>
    tpu.enqueue_indirect_dma source(%dma_start3A_209 : memref<50265x768xf32, #tpu.memory_space<hbm>>) target(%dma_start3A_204 : memref<32x768xf32, #tpu.memory_space<vmem>>) offsets(%dma_start3A_206 : memref<32xi32, #tpu.memory_space<vmem>>) semaphore(%arg7 : memref<!tpu.dma_semaphore, #tpu.memory_space<semaphore_mem>>)
    %dma_wait3A_210 = arith.constant 0 : i32
    %dma_wait3A_211 = arith.constant 0 : i32
    %dma_wait3A_212 = arith.constant 0 : i32
    %dma_wait3A_213 = tpu.memref_slice %arg6[%dma_wait3A_210, %dma_wait3A_211, %dma_wait3A_212] : memref<4x32x768xf32, #tpu.memory_space<vmem>> -> memref<1x32x768xf32, #tpu.memory_space<vmem>>
    %dma_wait3A_214 = tpu.memref_squeeze %dma_wait3A_213 : memref<1x32x768xf32, #tpu.memory_space<vmem>> -> memref<32x768xf32, #tpu.memory_space<vmem>>
    %dma_wait3A_215 = arith.constant 128 : i32
    %dma_wait3A_216 = tpu.memref_slice %arg5[%dma_wait3A_215] : memref<256xi32, #tpu.memory_space<vmem>> -> memref<32xi32, #tpu.memory_space<vmem>>
    %dma_wait3A_217 = arith.constant 0 : i32
    %dma_wait3A_218 = arith.constant 0 : i32
    %dma_wait3A_219 = tpu.memref_slice %arg2[%dma_wait3A_217, %dma_wait3A_218] : memref<50265x768xf32, #tpu.memory_space<hbm>> -> memref<50265x768xf32, #tpu.memory_space<hbm>>
    tpu.wait_indirect_dma semaphore(%arg7 : memref<!tpu.dma_semaphore, #tpu.memory_space<semaphore_mem>>) src(%dma_wait3A_219 : memref<50265x768xf32, #tpu.memory_space<hbm>>) dst(%dma_wait3A_214 : memref<32x768xf32, #tpu.memory_space<vmem>>)
    %add3A_220 = arith.constant 128 : i32
    %add3A_221 = arith.addi %mul3A_2, %add3A_220 : i32
    %dma_start3A_222 = arith.constant 0 : i32
    %dma_start3A_223 = arith.constant 0 : i32
    %dma_start3A_224 = arith.constant 0 : i32
    %dma_start3A_225 = tpu.memref_slice %arg6[%dma_start3A_222, %dma_start3A_223, %dma_start3A_224] : memref<4x32x768xf32, #tpu.memory_space<vmem>> -> memref<1x32x768xf32, #tpu.memory_space<vmem>>
    %dma_start3A_226 = tpu.memref_squeeze %dma_start3A_225 : memref<1x32x768xf32, #tpu.memory_space<vmem>> -> memref<32x768xf32, #tpu.memory_space<vmem>>
    %dma_start3A_227 = arith.constant 0 : i32
    %dma_start3A_228 = tpu.memref_slice %arg4[%add3A_221, %dma_start3A_227] : memref<8192x768xf32, #tpu.memory_space<hbm>> -> memref<32x768xf32, #tpu.memory_space<hbm>>
    %dma_start3A_229 = arith.constant 0 : i32
    %dma_start3A_230 = tpu.memref_slice %arg4[%add3A_221, %dma_start3A_229] : memref<8192x768xf32, #tpu.memory_space<hbm>> -> memref<32x768xf32, #tpu.memory_space<hbm>>
    %dma_start3A_231 = arith.constant 0 : i32
    %dma_start3A_232 = arith.constant 0 : i32
    %dma_start3A_233 = tpu.memref_slice %arg6[%dma_start3A_222, %dma_start3A_231, %dma_start3A_232] : memref<4x32x768xf32, #tpu.memory_space<vmem>> -> memref<1x32x768xf32, #tpu.memory_space<vmem>>
    %dma_start3A_234 = tpu.memref_squeeze %dma_start3A_233 : memref<1x32x768xf32, #tpu.memory_space<vmem>> -> memref<32x768xf32, #tpu.memory_space<vmem>>
    tpu.enqueue_dma source(%dma_start3A_234 : memref<32x768xf32, #tpu.memory_space<vmem>>) target(%dma_start3A_230 : memref<32x768xf32, #tpu.memory_space<hbm>>) target_semaphore(%arg8 : memref<!tpu.dma_semaphore, #tpu.memory_space<semaphore_mem>>)
    %dma_wait3A_235 = arith.constant 3 : i32
    %dma_wait3A_236 = arith.constant 0 : i32
    %dma_wait3A_237 = arith.constant 0 : i32
    %dma_wait3A_238 = tpu.memref_slice %arg6[%dma_wait3A_235, %dma_wait3A_236, %dma_wait3A_237] : memref<4x32x768xf32, #tpu.memory_space<vmem>> -> memref<1x32x768xf32, #tpu.memory_space<vmem>>
    %dma_wait3A_239 = tpu.memref_squeeze %dma_wait3A_238 : memref<1x32x768xf32, #tpu.memory_space<vmem>> -> memref<32x768xf32, #tpu.memory_space<vmem>>
    %dma_wait3A_240 = arith.constant 0 : i32
    %dma_wait3A_241 = tpu.memref_slice %arg4[%add3A_173, %dma_wait3A_240] : memref<8192x768xf32, #tpu.memory_space<hbm>> -> memref<32x768xf32, #tpu.memory_space<hbm>>
    %dma_wait3A_242 = arith.constant 0 : i32
    %dma_wait3A_243 = tpu.memref_slice %arg4[%add3A_173, %dma_wait3A_242] : memref<8192x768xf32, #tpu.memory_space<hbm>> -> memref<32x768xf32, #tpu.memory_space<hbm>>
    %dma_wait3A_244 = arith.constant 0 : i32
    %dma_wait3A_245 = arith.constant 0 : i32
    %dma_wait3A_246 = tpu.memref_slice %arg6[%dma_wait3A_235, %dma_wait3A_244, %dma_wait3A_245] : memref<4x32x768xf32, #tpu.memory_space<vmem>> -> memref<1x32x768xf32, #tpu.memory_space<vmem>>
    %dma_wait3A_247 = tpu.memref_squeeze %dma_wait3A_246 : memref<1x32x768xf32, #tpu.memory_space<vmem>> -> memref<32x768xf32, #tpu.memory_space<vmem>>
    tpu.wait_dma2 semaphore(%arg8 : memref<!tpu.dma_semaphore, #tpu.memory_space<semaphore_mem>>) src(%dma_wait3A_247 : memref<32x768xf32, #tpu.memory_space<vmem>>) dst(%dma_wait3A_243 : memref<32x768xf32, #tpu.memory_space<hbm>>)
    %dma_start3A_248 = arith.constant 3 : i32
    %dma_start3A_249 = arith.constant 0 : i32
    %dma_start3A_250 = arith.constant 0 : i32
    %dma_start3A_251 = tpu.memref_slice %arg6[%dma_start3A_248, %dma_start3A_249, %dma_start3A_250] : memref<4x32x768xf32, #tpu.memory_space<vmem>> -> memref<1x32x768xf32, #tpu.memory_space<vmem>>
    %dma_start3A_252 = tpu.memref_squeeze %dma_start3A_251 : memref<1x32x768xf32, #tpu.memory_space<vmem>> -> memref<32x768xf32, #tpu.memory_space<vmem>>
    %dma_start3A_253 = arith.constant 224 : i32
    %dma_start3A_254 = tpu.memref_slice %arg5[%dma_start3A_253] : memref<256xi32, #tpu.memory_space<vmem>> -> memref<32xi32, #tpu.memory_space<vmem>>
    %dma_start3A_255 = arith.constant 0 : i32
    %dma_start3A_256 = arith.constant 0 : i32
    %dma_start3A_257 = tpu.memref_slice %arg2[%dma_start3A_255, %dma_start3A_256] : memref<50265x768xf32, #tpu.memory_space<hbm>> -> memref<50265x768xf32, #tpu.memory_space<hbm>>
    tpu.enqueue_indirect_dma source(%dma_start3A_257 : memref<50265x768xf32, #tpu.memory_space<hbm>>) target(%dma_start3A_252 : memref<32x768xf32, #tpu.memory_space<vmem>>) offsets(%dma_start3A_254 : memref<32xi32, #tpu.memory_space<vmem>>) semaphore(%arg7 : memref<!tpu.dma_semaphore, #tpu.memory_space<semaphore_mem>>)
    %dma_wait3A_258 = arith.constant 1 : i32
    %dma_wait3A_259 = arith.constant 0 : i32
    %dma_wait3A_260 = arith.constant 0 : i32
    %dma_wait3A_261 = tpu.memref_slice %arg6[%dma_wait3A_258, %dma_wait3A_259, %dma_wait3A_260] : memref<4x32x768xf32, #tpu.memory_space<vmem>> -> memref<1x32x768xf32, #tpu.memory_space<vmem>>
    %dma_wait3A_262 = tpu.memref_squeeze %dma_wait3A_261 : memref<1x32x768xf32, #tpu.memory_space<vmem>> -> memref<32x768xf32, #tpu.memory_space<vmem>>
    %dma_wait3A_263 = arith.constant 160 : i32
    %dma_wait3A_264 = tpu.memref_slice %arg5[%dma_wait3A_263] : memref<256xi32, #tpu.memory_space<vmem>> -> memref<32xi32, #tpu.memory_space<vmem>>
    %dma_wait3A_265 = arith.constant 0 : i32
    %dma_wait3A_266 = arith.constant 0 : i32
    %dma_wait3A_267 = tpu.memref_slice %arg2[%dma_wait3A_265, %dma_wait3A_266] : memref<50265x768xf32, #tpu.memory_space<hbm>> -> memref<50265x768xf32, #tpu.memory_space<hbm>>
    tpu.wait_indirect_dma semaphore(%arg7 : memref<!tpu.dma_semaphore, #tpu.memory_space<semaphore_mem>>) src(%dma_wait3A_267 : memref<50265x768xf32, #tpu.memory_space<hbm>>) dst(%dma_wait3A_262 : memref<32x768xf32, #tpu.memory_space<vmem>>)
    %add3A_268 = arith.constant 160 : i32
    %add3A_269 = arith.addi %mul3A_2, %add3A_268 : i32
    %dma_start3A_270 = arith.constant 1 : i32
    %dma_start3A_271 = arith.constant 0 : i32
    %dma_start3A_272 = arith.constant 0 : i32
    %dma_start3A_273 = tpu.memref_slice %arg6[%dma_start3A_270, %dma_start3A_271, %dma_start3A_272] : memref<4x32x768xf32, #tpu.memory_space<vmem>> -> memref<1x32x768xf32, #tpu.memory_space<vmem>>
    %dma_start3A_274 = tpu.memref_squeeze %dma_start3A_273 : memref<1x32x768xf32, #tpu.memory_space<vmem>> -> memref<32x768xf32, #tpu.memory_space<vmem>>
    %dma_start3A_275 = arith.constant 0 : i32
    %dma_start3A_276 = tpu.memref_slice %arg4[%add3A_269, %dma_start3A_275] : memref<8192x768xf32, #tpu.memory_space<hbm>> -> memref<32x768xf32, #tpu.memory_space<hbm>>
    %dma_start3A_277 = arith.constant 0 : i32
    %dma_start3A_278 = tpu.memref_slice %arg4[%add3A_269, %dma_start3A_277] : memref<8192x768xf32, #tpu.memory_space<hbm>> -> memref<32x768xf32, #tpu.memory_space<hbm>>
    %dma_start3A_279 = arith.constant 0 : i32
    %dma_start3A_280 = arith.constant 0 : i32
    %dma_start3A_281 = tpu.memref_slice %arg6[%dma_start3A_270, %dma_start3A_279, %dma_start3A_280] : memref<4x32x768xf32, #tpu.memory_space<vmem>> -> memref<1x32x768xf32, #tpu.memory_space<vmem>>
    %dma_start3A_282 = tpu.memref_squeeze %dma_start3A_281 : memref<1x32x768xf32, #tpu.memory_space<vmem>> -> memref<32x768xf32, #tpu.memory_space<vmem>>
    tpu.enqueue_dma source(%dma_start3A_282 : memref<32x768xf32, #tpu.memory_space<vmem>>) target(%dma_start3A_278 : memref<32x768xf32, #tpu.memory_space<hbm>>) target_semaphore(%arg8 : memref<!tpu.dma_semaphore, #tpu.memory_space<semaphore_mem>>)
    %dma_wait3A_283 = arith.constant 2 : i32
    %dma_wait3A_284 = arith.constant 0 : i32
    %dma_wait3A_285 = arith.constant 0 : i32
    %dma_wait3A_286 = tpu.memref_slice %arg6[%dma_wait3A_283, %dma_wait3A_284, %dma_wait3A_285] : memref<4x32x768xf32, #tpu.memory_space<vmem>> -> memref<1x32x768xf32, #tpu.memory_space<vmem>>
    %dma_wait3A_287 = tpu.memref_squeeze %dma_wait3A_286 : memref<1x32x768xf32, #tpu.memory_space<vmem>> -> memref<32x768xf32, #tpu.memory_space<vmem>>
    %dma_wait3A_288 = arith.constant 192 : i32
    %dma_wait3A_289 = tpu.memref_slice %arg5[%dma_wait3A_288] : memref<256xi32, #tpu.memory_space<vmem>> -> memref<32xi32, #tpu.memory_space<vmem>>
    %dma_wait3A_290 = arith.constant 0 : i32
    %dma_wait3A_291 = arith.constant 0 : i32
    %dma_wait3A_292 = tpu.memref_slice %arg2[%dma_wait3A_290, %dma_wait3A_291] : memref<50265x768xf32, #tpu.memory_space<hbm>> -> memref<50265x768xf32, #tpu.memory_space<hbm>>
    tpu.wait_indirect_dma semaphore(%arg7 : memref<!tpu.dma_semaphore, #tpu.memory_space<semaphore_mem>>) src(%dma_wait3A_292 : memref<50265x768xf32, #tpu.memory_space<hbm>>) dst(%dma_wait3A_287 : memref<32x768xf32, #tpu.memory_space<vmem>>)
    %add3A_293 = arith.constant 192 : i32
    %add3A_294 = arith.addi %mul3A_2, %add3A_293 : i32
    %dma_start3A_295 = arith.constant 2 : i32
    %dma_start3A_296 = arith.constant 0 : i32
    %dma_start3A_297 = arith.constant 0 : i32
    %dma_start3A_298 = tpu.memref_slice %arg6[%dma_start3A_295, %dma_start3A_296, %dma_start3A_297] : memref<4x32x768xf32, #tpu.memory_space<vmem>> -> memref<1x32x768xf32, #tpu.memory_space<vmem>>
    %dma_start3A_299 = tpu.memref_squeeze %dma_start3A_298 : memref<1x32x768xf32, #tpu.memory_space<vmem>> -> memref<32x768xf32, #tpu.memory_space<vmem>>
    %dma_start3A_300 = arith.constant 0 : i32
    %dma_start3A_301 = tpu.memref_slice %arg4[%add3A_294, %dma_start3A_300] : memref<8192x768xf32, #tpu.memory_space<hbm>> -> memref<32x768xf32, #tpu.memory_space<hbm>>
    %dma_start3A_302 = arith.constant 0 : i32
    %dma_start3A_303 = tpu.memref_slice %arg4[%add3A_294, %dma_start3A_302] : memref<8192x768xf32, #tpu.memory_space<hbm>> -> memref<32x768xf32, #tpu.memory_space<hbm>>
    %dma_start3A_304 = arith.constant 0 : i32
    %dma_start3A_305 = arith.constant 0 : i32
    %dma_start3A_306 = tpu.memref_slice %arg6[%dma_start3A_295, %dma_start3A_304, %dma_start3A_305] : memref<4x32x768xf32, #tpu.memory_space<vmem>> -> memref<1x32x768xf32, #tpu.memory_space<vmem>>
    %dma_start3A_307 = tpu.memref_squeeze %dma_start3A_306 : memref<1x32x768xf32, #tpu.memory_space<vmem>> -> memref<32x768xf32, #tpu.memory_space<vmem>>
    tpu.enqueue_dma source(%dma_start3A_307 : memref<32x768xf32, #tpu.memory_space<vmem>>) target(%dma_start3A_303 : memref<32x768xf32, #tpu.memory_space<hbm>>) target_semaphore(%arg8 : memref<!tpu.dma_semaphore, #tpu.memory_space<semaphore_mem>>)
    %dma_wait3A_308 = arith.constant 3 : i32
    %dma_wait3A_309 = arith.constant 0 : i32
    %dma_wait3A_310 = arith.constant 0 : i32
    %dma_wait3A_311 = tpu.memref_slice %arg6[%dma_wait3A_308, %dma_wait3A_309, %dma_wait3A_310] : memref<4x32x768xf32, #tpu.memory_space<vmem>> -> memref<1x32x768xf32, #tpu.memory_space<vmem>>
    %dma_wait3A_312 = tpu.memref_squeeze %dma_wait3A_311 : memref<1x32x768xf32, #tpu.memory_space<vmem>> -> memref<32x768xf32, #tpu.memory_space<vmem>>
    %dma_wait3A_313 = arith.constant 224 : i32
    %dma_wait3A_314 = tpu.memref_slice %arg5[%dma_wait3A_313] : memref<256xi32, #tpu.memory_space<vmem>> -> memref<32xi32, #tpu.memory_space<vmem>>
    %dma_wait3A_315 = arith.constant 0 : i32
    %dma_wait3A_316 = arith.constant 0 : i32
    %dma_wait3A_317 = tpu.memref_slice %arg2[%dma_wait3A_315, %dma_wait3A_316] : memref<50265x768xf32, #tpu.memory_space<hbm>> -> memref<50265x768xf32, #tpu.memory_space<hbm>>
    tpu.wait_indirect_dma semaphore(%arg7 : memref<!tpu.dma_semaphore, #tpu.memory_space<semaphore_mem>>) src(%dma_wait3A_317 : memref<50265x768xf32, #tpu.memory_space<hbm>>) dst(%dma_wait3A_312 : memref<32x768xf32, #tpu.memory_space<vmem>>)
    %add3A_318 = arith.constant 224 : i32
    %add3A_319 = arith.addi %mul3A_2, %add3A_318 : i32
    %dma_start3A_320 = arith.constant 3 : i32
    %dma_start3A_321 = arith.constant 0 : i32
    %dma_start3A_322 = arith.constant 0 : i32
    %dma_start3A_323 = tpu.memref_slice %arg6[%dma_start3A_320, %dma_start3A_321, %dma_start3A_322] : memref<4x32x768xf32, #tpu.memory_space<vmem>> -> memref<1x32x768xf32, #tpu.memory_space<vmem>>
    %dma_start3A_324 = tpu.memref_squeeze %dma_start3A_323 : memref<1x32x768xf32, #tpu.memory_space<vmem>> -> memref<32x768xf32, #tpu.memory_space<vmem>>
    %dma_start3A_325 = arith.constant 0 : i32
    %dma_start3A_326 = tpu.memref_slice %arg4[%add3A_319, %dma_start3A_325] : memref<8192x768xf32, #tpu.memory_space<hbm>> -> memref<32x768xf32, #tpu.memory_space<hbm>>
    %dma_start3A_327 = arith.constant 0 : i32
    %dma_start3A_328 = tpu.memref_slice %arg4[%add3A_319, %dma_start3A_327] : memref<8192x768xf32, #tpu.memory_space<hbm>> -> memref<32x768xf32, #tpu.memory_space<hbm>>
    %dma_start3A_329 = arith.constant 0 : i32
    %dma_start3A_330 = arith.constant 0 : i32
    %dma_start3A_331 = tpu.memref_slice %arg6[%dma_start3A_320, %dma_start3A_329, %dma_start3A_330] : memref<4x32x768xf32, #tpu.memory_space<vmem>> -> memref<1x32x768xf32, #tpu.memory_space<vmem>>
    %dma_start3A_332 = tpu.memref_squeeze %dma_start3A_331 : memref<1x32x768xf32, #tpu.memory_space<vmem>> -> memref<32x768xf32, #tpu.memory_space<vmem>>
    tpu.enqueue_dma source(%dma_start3A_332 : memref<32x768xf32, #tpu.memory_space<vmem>>) target(%dma_start3A_328 : memref<32x768xf32, #tpu.memory_space<hbm>>) target_semaphore(%arg8 : memref<!tpu.dma_semaphore, #tpu.memory_space<semaphore_mem>>)
    %dma_wait3A_333 = arith.constant 0 : i32
    %dma_wait3A_334 = arith.constant 0 : i32
    %dma_wait3A_335 = arith.constant 0 : i32
    %dma_wait3A_336 = tpu.memref_slice %arg6[%dma_wait3A_333, %dma_wait3A_334, %dma_wait3A_335] : memref<4x32x768xf32, #tpu.memory_space<vmem>> -> memref<1x32x768xf32, #tpu.memory_space<vmem>>
    %dma_wait3A_337 = tpu.memref_squeeze %dma_wait3A_336 : memref<1x32x768xf32, #tpu.memory_space<vmem>> -> memref<32x768xf32, #tpu.memory_space<vmem>>
    %dma_wait3A_338 = arith.constant 0 : i32
    %dma_wait3A_339 = tpu.memref_slice %arg4[%add3A_221, %dma_wait3A_338] : memref<8192x768xf32, #tpu.memory_space<hbm>> -> memref<32x768xf32, #tpu.memory_space<hbm>>
    %dma_wait3A_340 = arith.constant 0 : i32
    %dma_wait3A_341 = tpu.memref_slice %arg4[%add3A_221, %dma_wait3A_340] : memref<8192x768xf32, #tpu.memory_space<hbm>> -> memref<32x768xf32, #tpu.memory_space<hbm>>
    %dma_wait3A_342 = arith.constant 0 : i32
    %dma_wait3A_343 = arith.constant 0 : i32
    %dma_wait3A_344 = tpu.memref_slice %arg6[%dma_wait3A_333, %dma_wait3A_342, %dma_wait3A_343] : memref<4x32x768xf32, #tpu.memory_space<vmem>> -> memref<1x32x768xf32, #tpu.memory_space<vmem>>
    %dma_wait3A_345 = tpu.memref_squeeze %dma_wait3A_344 : memref<1x32x768xf32, #tpu.memory_space<vmem>> -> memref<32x768xf32, #tpu.memory_space<vmem>>
    tpu.wait_dma2 semaphore(%arg8 : memref<!tpu.dma_semaphore, #tpu.memory_space<semaphore_mem>>) src(%dma_wait3A_345 : memref<32x768xf32, #tpu.memory_space<vmem>>) dst(%dma_wait3A_341 : memref<32x768xf32, #tpu.memory_space<hbm>>)
    %dma_wait3A_346 = arith.constant 1 : i32
    %dma_wait3A_347 = arith.constant 0 : i32
    %dma_wait3A_348 = arith.constant 0 : i32
    %dma_wait3A_349 = tpu.memref_slice %arg6[%dma_wait3A_346, %dma_wait3A_347, %dma_wait3A_348] : memref<4x32x768xf32, #tpu.memory_space<vmem>> -> memref<1x32x768xf32, #tpu.memory_space<vmem>>
    %dma_wait3A_350 = tpu.memref_squeeze %dma_wait3A_349 : memref<1x32x768xf32, #tpu.memory_space<vmem>> -> memref<32x768xf32, #tpu.memory_space<vmem>>
    %dma_wait3A_351 = arith.constant 0 : i32
    %dma_wait3A_352 = tpu.memref_slice %arg4[%add3A_269, %dma_wait3A_351] : memref<8192x768xf32, #tpu.memory_space<hbm>> -> memref<32x768xf32, #tpu.memory_space<hbm>>
    %dma_wait3A_353 = arith.constant 0 : i32
    %dma_wait3A_354 = tpu.memref_slice %arg4[%add3A_269, %dma_wait3A_353] : memref<8192x768xf32, #tpu.memory_space<hbm>> -> memref<32x768xf32, #tpu.memory_space<hbm>>
    %dma_wait3A_355 = arith.constant 0 : i32
    %dma_wait3A_356 = arith.constant 0 : i32
    %dma_wait3A_357 = tpu.memref_slice %arg6[%dma_wait3A_346, %dma_wait3A_355, %dma_wait3A_356] : memref<4x32x768xf32, #tpu.memory_space<vmem>> -> memref<1x32x768xf32, #tpu.memory_space<vmem>>
    %dma_wait3A_358 = tpu.memref_squeeze %dma_wait3A_357 : memref<1x32x768xf32, #tpu.memory_space<vmem>> -> memref<32x768xf32, #tpu.memory_space<vmem>>
    tpu.wait_dma2 semaphore(%arg8 : memref<!tpu.dma_semaphore, #tpu.memory_space<semaphore_mem>>) src(%dma_wait3A_358 : memref<32x768xf32, #tpu.memory_space<vmem>>) dst(%dma_wait3A_354 : memref<32x768xf32, #tpu.memory_space<hbm>>)
    %dma_wait3A_359 = arith.constant 2 : i32
    %dma_wait3A_360 = arith.constant 0 : i32
    %dma_wait3A_361 = arith.constant 0 : i32
    %dma_wait3A_362 = tpu.memref_slice %arg6[%dma_wait3A_359, %dma_wait3A_360, %dma_wait3A_361] : memref<4x32x768xf32, #tpu.memory_space<vmem>> -> memref<1x32x768xf32, #tpu.memory_space<vmem>>
    %dma_wait3A_363 = tpu.memref_squeeze %dma_wait3A_362 : memref<1x32x768xf32, #tpu.memory_space<vmem>> -> memref<32x768xf32, #tpu.memory_space<vmem>>
    %dma_wait3A_364 = arith.constant 0 : i32
    %dma_wait3A_365 = tpu.memref_slice %arg4[%add3A_294, %dma_wait3A_364] : memref<8192x768xf32, #tpu.memory_space<hbm>> -> memref<32x768xf32, #tpu.memory_space<hbm>>
    %dma_wait3A_366 = arith.constant 0 : i32
    %dma_wait3A_367 = tpu.memref_slice %arg4[%add3A_294, %dma_wait3A_366] : memref<8192x768xf32, #tpu.memory_space<hbm>> -> memref<32x768xf32, #tpu.memory_space<hbm>>
    %dma_wait3A_368 = arith.constant 0 : i32
    %dma_wait3A_369 = arith.constant 0 : i32
    %dma_wait3A_370 = tpu.memref_slice %arg6[%dma_wait3A_359, %dma_wait3A_368, %dma_wait3A_369] : memref<4x32x768xf32, #tpu.memory_space<vmem>> -> memref<1x32x768xf32, #tpu.memory_space<vmem>>
    %dma_wait3A_371 = tpu.memref_squeeze %dma_wait3A_370 : memref<1x32x768xf32, #tpu.memory_space<vmem>> -> memref<32x768xf32, #tpu.memory_space<vmem>>
    tpu.wait_dma2 semaphore(%arg8 : memref<!tpu.dma_semaphore, #tpu.memory_space<semaphore_mem>>) src(%dma_wait3A_371 : memref<32x768xf32, #tpu.memory_space<vmem>>) dst(%dma_wait3A_367 : memref<32x768xf32, #tpu.memory_space<hbm>>)
    %dma_wait3A_372 = arith.constant 3 : i32
    %dma_wait3A_373 = arith.constant 0 : i32
    %dma_wait3A_374 = arith.constant 0 : i32
    %dma_wait3A_375 = tpu.memref_slice %arg6[%dma_wait3A_372, %dma_wait3A_373, %dma_wait3A_374] : memref<4x32x768xf32, #tpu.memory_space<vmem>> -> memref<1x32x768xf32, #tpu.memory_space<vmem>>
    %dma_wait3A_376 = tpu.memref_squeeze %dma_wait3A_375 : memref<1x32x768xf32, #tpu.memory_space<vmem>> -> memref<32x768xf32, #tpu.memory_space<vmem>>
    %dma_wait3A_377 = arith.constant 0 : i32
    %dma_wait3A_378 = tpu.memref_slice %arg4[%add3A_319, %dma_wait3A_377] : memref<8192x768xf32, #tpu.memory_space<hbm>> -> memref<32x768xf32, #tpu.memory_space<hbm>>
    %dma_wait3A_379 = arith.constant 0 : i32
    %dma_wait3A_380 = tpu.memref_slice %arg4[%add3A_319, %dma_wait3A_379] : memref<8192x768xf32, #tpu.memory_space<hbm>> -> memref<32x768xf32, #tpu.memory_space<hbm>>
    %dma_wait3A_381 = arith.constant 0 : i32
    %dma_wait3A_382 = arith.constant 0 : i32
    %dma_wait3A_383 = tpu.memref_slice %arg6[%dma_wait3A_372, %dma_wait3A_381, %dma_wait3A_382] : memref<4x32x768xf32, #tpu.memory_space<vmem>> -> memref<1x32x768xf32, #tpu.memory_space<vmem>>
    %dma_wait3A_384 = tpu.memref_squeeze %dma_wait3A_383 : memref<1x32x768xf32, #tpu.memory_space<vmem>> -> memref<32x768xf32, #tpu.memory_space<vmem>>
    tpu.wait_dma2 semaphore(%arg8 : memref<!tpu.dma_semaphore, #tpu.memory_space<semaphore_mem>>) src(%dma_wait3A_384 : memref<32x768xf32, #tpu.memory_space<vmem>>) dst(%dma_wait3A_380 : memref<32x768xf32, #tpu.memory_space<hbm>>)
    return
  }
}

module attributes {stable_mosaic.version = 14 : i64} {
  func.func @_ln_body(%arg0: i32, %arg1: i32, %arg2: memref<2048x768xf32, #tpu.memory_space<vmem>>, %arg3: memref<1x768xf32, #tpu.memory_space<vmem>>, %arg4: memref<1x768xf32, #tpu.memory_space<vmem>>, %arg5: memref<2048x768xf32, #tpu.memory_space<vmem>>, %arg6: memref<2048x768xf32, #tpu.memory_space<vmem>>) attributes {dimension_semantics = [#tpu.dimension_semantics<arbitrary>, #tpu.dimension_semantics<arbitrary>], iteration_bounds = array<i64: 1, 4>, scalar_prefetch = 0 : i64, scratch_operands = 0 : i64, tpu.core_type = #tpu.core_type<tc>, window_params = [{transform_indices = @transform_0, window_bounds = array<i64: 2048, 768>}, {pipeline_mode = #tpu.pipeline_mode<synchronous>, transform_indices = @transform_1, window_bounds = array<i64: 1, 768>}, {pipeline_mode = #tpu.pipeline_mode<synchronous>, transform_indices = @transform_2, window_bounds = array<i64: 1, 768>}, {transform_indices = @transform_3, window_bounds = array<i64: 2048, 768>}, {transform_indices = @transform_4, window_bounds = array<i64: 2048, 768>}]} {
    %get3A = arith.constant 0 : index
    %get3A_0 = arith.constant 0 : index
    %get3A_1 = vector.load %arg5[%get3A, %get3A_0] : memref<2048x768xf32, #tpu.memory_space<vmem>>, vector<2048x768xf32>
    %get3A_2 = arith.constant 0 : index
    %get3A_3 = arith.constant 0 : index
    %get3A_4 = vector.load %arg2[%get3A_2, %get3A_3] : memref<2048x768xf32, #tpu.memory_space<vmem>>, vector<2048x768xf32>
    %add3A = arith.addf %get3A_1, %get3A_4 : vector<2048x768xf32>
    %reduce_sum3A = arith.constant dense<0.000000e+00> : vector<2048xf32>
    %reduce_sum3A_5 = vector.multi_reduction <add>, %add3A, %reduce_sum3A [1] : vector<2048x768xf32> to vector<2048xf32>
    %broadcast_in_dim3A = vector.shape_cast %reduce_sum3A_5 : vector<2048xf32> to vector<2048x1xf32>
    %div3A = arith.constant 7.680000e+02 : f32
    %div3A_6 = vector.broadcast %div3A : f32 to vector<2048x1xf32>
    %div3A_7 = arith.divf %broadcast_in_dim3A, %div3A_6 : vector<2048x1xf32>
    %sub3A = vector.broadcast %div3A_7 : vector<2048x1xf32> to vector<2048x768xf32>
    %sub3A_8 = arith.subf %add3A, %sub3A : vector<2048x768xf32>
    %mul3A = arith.mulf %sub3A_8, %sub3A_8 : vector<2048x768xf32>
    %reduce_sum3A_9 = arith.constant dense<0.000000e+00> : vector<2048xf32>
    %reduce_sum3A_10 = vector.multi_reduction <add>, %mul3A, %reduce_sum3A_9 [1] : vector<2048x768xf32> to vector<2048xf32>
    %broadcast_in_dim3A_11 = vector.shape_cast %reduce_sum3A_10 : vector<2048xf32> to vector<2048x1xf32>
    %div3A_12 = arith.constant 7.680000e+02 : f32
    %div3A_13 = vector.broadcast %div3A_12 : f32 to vector<2048x1xf32>
    %div3A_14 = arith.divf %broadcast_in_dim3A_11, %div3A_13 : vector<2048x1xf32>
    %add3A_15 = arith.constant 9.99999996E-13 : f32
    %add3A_16 = vector.broadcast %add3A_15 : f32 to vector<2048x1xf32>
    %add3A_17 = arith.addf %div3A_14, %add3A_16 : vector<2048x1xf32>
    %rsqrt3A = math.rsqrt %add3A_17 : vector<2048x1xf32>
    %mul3A_18 = vector.broadcast %rsqrt3A : vector<2048x1xf32> to vector<2048x768xf32>
    %mul3A_19 = arith.mulf %sub3A_8, %mul3A_18 : vector<2048x768xf32>
    %get3A_20 = arith.constant 0 : index
    %get3A_21 = arith.constant 0 : index
    %get3A_22 = vector.load %arg3[%get3A_20, %get3A_21] : memref<1x768xf32, #tpu.memory_space<vmem>>, vector<1x768xf32>
    %mul3A_23 = vector.broadcast %get3A_22 : vector<1x768xf32> to vector<2048x768xf32>
    %mul3A_24 = arith.mulf %mul3A_19, %mul3A_23 : vector<2048x768xf32>
    %get3A_25 = arith.constant 0 : index
    %get3A_26 = arith.constant 0 : index
    %get3A_27 = vector.load %arg4[%get3A_25, %get3A_26] : memref<1x768xf32, #tpu.memory_space<vmem>>, vector<1x768xf32>
    %add3A_28 = vector.broadcast %get3A_27 : vector<1x768xf32> to vector<2048x768xf32>
    %add3A_29 = arith.addf %mul3A_24, %add3A_28 : vector<2048x768xf32>
    %swap3A = arith.constant 0 : index
    %swap3A_30 = arith.constant 0 : index
    %swap3A_31 = vector.load %arg6[%swap3A, %swap3A_30] : memref<2048x768xf32, #tpu.memory_space<vmem>>, vector<2048x768xf32>
    tpu.vector_store %arg6[%swap3A, %swap3A_30], %add3A_29 {strides = array<i32>} : memref<2048x768xf32, #tpu.memory_space<vmem>>, vector<2048x768xf32>,
    return
  }
  func.func @transform_0(%arg0: i32, %arg1: i32) -> (i32, i32) {
    %c0_i32 = arith.constant 0 : i32
    %c0_i32_0 = arith.constant 0 : i32
    return %arg0, %c0_i32 : i32, i32
  }
  func.func @transform_1(%arg0: i32, %arg1: i32) -> (i32, i32) {
    %c0_i32 = arith.constant 0 : i32
    %c0_i32_0 = arith.constant 0 : i32
    %c0_i32_1 = arith.constant 0 : i32
    return %c0_i32, %c0_i32_0 : i32, i32
  }
  func.func @transform_2(%arg0: i32, %arg1: i32) -> (i32, i32) {
    %c0_i32 = arith.constant 0 : i32
    %c0_i32_0 = arith.constant 0 : i32
    %c0_i32_1 = arith.constant 0 : i32
    return %c0_i32, %c0_i32_0 : i32, i32
  }
  func.func @transform_3(%arg0: i32, %arg1: i32) -> (i32, i32) {
    %mul3A = arith.constant 1 : i32
    %mul3A_0 = arith.muli %arg1, %mul3A : i32
    %add3A = arith.addi %mul3A_0, %arg0 : i32
    %c0_i32 = arith.constant 0 : i32
    %c0_i32_1 = arith.constant 0 : i32
    return %add3A, %c0_i32 : i32, i32
  }
  func.func @transform_4(%arg0: i32, %arg1: i32) -> (i32, i32) {
    %mul3A = arith.constant 1 : i32
    %mul3A_0 = arith.muli %arg1, %mul3A : i32
    %add3A = arith.addi %mul3A_0, %arg0 : i32
    %c0_i32 = arith.constant 0 : i32
    %c0_i32_1 = arith.constant 0 : i32
    return %add3A, %c0_i32 : i32, i32
  }
}

</mosaic_0001>

<sc_bundles>
// kernel: kernel.4.cloned.1.call-start
scs
__scs_entry_jumppad:
0x0: {  	(pc) =	sbr.rel $0x88, $3  }
0x1: {  	(tag) =	ssettag $0x0;
	lr =	simm.s32 $0x1  }
0x2: {  	[smem:$0x3F9C] =	sst lr;
	_ =	strace $0xD0000000  }
0x3: {  	_ = 	snop  }
0x4: {  	_ = 	snop  }
0x5: {  	_ = 	snop  }
0x6: {  	_ = 	snop  }
0x7: {  	_ = 	snop  }
__scs_overlays_trampoline_lowered:
0x8: {  	[smem:$0x3FAB] =	sst s0  }
0x9: {  	[smem:$0x3FAC] =	sst s1  }
0xa: {  	[smem:$0x3FAD] =	sst s2  }
0xb: {  	[smem:$0x3FAE] =	sst s3  }
0xc: {  	[smem:$0x3FAF] =	sst s4  }
0xd: {  	[smem:$0x3FB0] =	sst s5  }
0xe: {  	[smem:$0x3FB1] =	sst s6  }
0xf: {  	[smem:$0x3FB2] =	sst s7  }
0x10: {  	[smem:$0x3FB3] =	sst s8  }
0x11: {  	[smem:$0x3FB4] =	sst s9;
	s0 =	simm.s32 @!p0 $0x0  }
0x12: {  	s1 =	sld [smem:$0x3F9A];
	s0 =	simm.s32 @p0 $0x1  }
0x13: {  	[smem:$0x3FB5] =	sst s0;
	s0 =	simm.s32 @!p1 $0x0  }
0x14: {  	s2 =	sld [smem:$0x3F99];
	s0 =	simm.s32 @p1 $0x1  }
0x15: {  	[smem:$0x3FB6] =	sst s0;
	s0 =	simm.s32 @!p2 $0x0  }
0x16: {  	s3 =	sld [smem:$0x3FDB];
	s0 =	simm.s32 @p2 $0x1  }
0x17: {  	s4 =	simm.s32 $0x1BF5;
	[smem:$0x3FB8] =	sst s0  }
0x18: {  	s0 =	sld [smem:$0x3F9B];
	_ =	swait.ge [sflag:s4], $0x0  }
0x19: {  	s7 =	sld [smem:$0x3F9C]  }
0x1a: {  	s8 =	sadd.s32 $0xFFFFE003, lr  }
0x1b: {  	s9 =	sadd.s32 $0xFFFFFEF7, lr;
	s5 =	simm.s32 $0xFFFFFFFF;
	p2 =	slt.u32 s8, $0xFFFFF086  }
0x1c: {  	p1 =	slt.u32 s9, $0xF7A;
	s5 =	simm.s32 @!p2 $0x0  }
0x1d: {  	s5 =	simm.s32 @p1 $0x1;
	p0 =	seq.s32 s7, s2  }
0x1e: {  	s7 =	smul.u32 @!p0 $0xF7A, s2;
	p2 =	seq.s32 @!p0 s5, $0x0  }
0x1f: {  	s9 =	smul.u32 $0xF7A, s1;
	s8 =	simm.s32 @!p0 $0x1BF5;
	p2 =	por !p2, p0  }
0x20: {  	[sflag:s8] =	ssyncset.s32 @!p0 $0xFFFFF086;
	s6 =	sadd.s32 @!p0 s3, s7;
	s7 =	simm.s32 @!p0 $0x108  }
0x21: {  	s3 =	sadd.s32 s3, s9;
	s6 =	sadd.s32 @!p0 $0x88, s6;
	s7 =	simm.s32 @p2 $0x1082  }
0x22: {  	[simem:s7], [sflag:s8] =	dma.local @!p0 [hbm:s6], $0xF7A  }
0x23: {  	s9 =	sor.u32 $0xD0000000, s2;
	s6 =	simm.s32 $0x108;
	_ =	swait.ge @!p0 [sflag:s8], $0x0  }
0x24: {  	s3 =	sadd.s32 $0x88, s3;
	s6 =	simm.s32 @!p1 $0x1082;
	[sflag:s4] =	ssyncset.s32 $0xFFFFF086  }
0x25: {  	[simem:s6], [sflag:s4] =	dma.local [hbm:s3], $0xF7A  }
0x26: {  	[smem:$0x3F9C] =	sst s1;
	(tag) =	ssettag s2;
	_ =	strace s9  }
0x27: {  	s1 =	sld [smem:$0x3FAC]  }
0x28: {  	s2 =	sld [smem:$0x3FAD]  }
0x29: {  	s4 =	sld [smem:$0x3FAF]  }
0x2a: {  	p0 =	seq.s32 s5, $0x0;
	s5 =	sld [smem:$0x3FB0]  }
0x2b: {  	s6 =	sld [smem:$0x3FB1]  }
0x2c: {  	s7 =	sld [smem:$0x3FB2]  }
0x2d: {  	s3 =	simm.s32 $0x108;
	s8 =	sld [smem:$0x3FB3]  }
0x2e: {  	s3 =	simm.s32 @!p0 $0x1082;
	s9 =	sld [smem:$0x3FB4]  }
0x2f: {  	lr =	sadd.s32 s0, s3;
	s0 =	sld [smem:$0x3FAB]  }
0x30: {  	s3 =	sld [smem:$0x3FAE]  }
0x31: {  	[smem:$0x3FB7] =	sst s10  }
0x32: {  	s10 =	sld [smem:$0x3FB5];
	_ =	sdelay $0x3  }
0x33: {  	p0 =	seq.s32 s10, $0x1;
	s10 =	sld [smem:$0x3FB7];
	_ =	sdelay $0x3  }
0x34: {  	[smem:$0x3FB7] =	sst s10  }
0x35: {  	s10 =	sld [smem:$0x3FB6];
	_ =	sdelay $0x3  }
0x36: {  	p1 =	seq.s32 s10, $0x1;
	s10 =	sld [smem:$0x3FB7];
	_ =	sdelay $0x3  }
0x37: {  	[smem:$0x3FB7] =	sst s10  }
0x38: {  	s10 =	sld [smem:$0x3FB8]  }
0x39: {  	_ = 	snop;
	(pc) =	sbr.ind lr, $3  }
0x3a: {  	_ = 	snop  }
0x3b: {  	_ = 	snop  }
0x3c: {  	p2 =	seq.s32 s10, $0x1;
	s10 =	sld [smem:$0x3FB7]  }
0x3d: {  	_ =	shalt  }
0x3e: {  	_ =	shalt  }
0x3f: {  	_ =	shalt  }
0x40: {  	_ =	shalt  }
0x41: {  	_ =	shalt  }
0x42: {  	_ =	shalt  }
0x43: {  	_ =	shalt  }
0x44: {  	_ =	shalt  }
0x45: {  	_ =	shalt  }
0x46: {  	_ =	shalt  }
0x47: {  	_ =	shalt  }
0x48: {  	_ =	shalt  }
0x49: {  	_ =	shalt  }
0x4a: {  	_ =	shalt  }
0x4b: {  	_ =	shalt  }
0x4c: {  	_ =	shalt  }
0x4d: {  	_ =	shalt  }
0x4e: {  	_ =	shalt  }
0x4f: {  	_ =	shalt  }
0x50: {  	_ =	shalt  }
0x51: {  	_ =	shalt  }
0x52: {  	_ =	shalt  }
0x53: {  	_ =	shalt  }
0x54: {  	_ =	shalt  }
0x55: {  	_ =	shalt  }
0x56: {  	_ =	shalt  }
0x57: {  	_ =	shalt  }
0x58: {  	_ =	shalt  }
0x59: {  	_ =	shalt  }
0x5a: {  	_ =	shalt  }
0x5b: {  	_ =	shalt  }
0x5c: {  	_ =	shalt  }
0x5d: {  	_ =	shalt  }
0x5e: {  	_ =	shalt  }
0x5f: {  	_ =	shalt  }
0x60: {  	_ =	shalt  }
0x61: {  	_ =	shalt  }
0x62: {  	_ =	shalt  }
0x63: {  	_ =	shalt  }
0x64: {  	_ =	shalt  }
0x65: {  	_ =	shalt  }
0x66: {  	_ =	shalt  }
0x67: {  	_ =	shalt  }
0x68: {  	_ =	shalt  }
0x69: {  	_ =	shalt  }
0x6a: {  	_ =	shalt  }
0x6b: {  	_ =	shalt  }
0x6c: {  	_ =	shalt  }
0x6d: {  	_ =	shalt  }
0x6e: {  	_ =	shalt  }
0x6f: {  	_ =	shalt  }
0x70: {  	_ =	shalt  }
0x71: {  	_ =	shalt  }
0x72: {  	_ =	shalt  }
0x73: {  	_ =	shalt  }
0x74: {  	_ =	shalt  }
0x75: {  	_ =	shalt  }
0x76: {  	_ =	shalt  }
0x77: {  	_ =	shalt  }
0x78: {  	_ =	shalt  }
0x79: {  	_ =	shalt  }
0x7a: {  	_ =	shalt  }
0x7b: {  	_ =	shalt  }
0x7c: {  	_ =	shalt  }
0x7d: {  	_ =	shalt  }
0x7e: {  	_ =	shalt  }
0x7f: {  	_ =	shalt  }
0x80: {  	_ =	shalt  }
0x81: {  	_ =	shalt  }
0x82: {  	_ =	shalt  }
0x83: {  	_ =	shalt  }
0x84: {  	_ =	shalt  }
0x85: {  	_ =	shalt  }
0x86: {  	_ =	shalt  }
0x87: {  	_ =	shalt  }
.Lfunc_end0:
.L_simem_size_0:
called_computation_lowered:
.L_overlay_start_0:
0x88: {  	s2 =	sld [smem:$0x3FD9]  }
0x89: {  	s3 =	sld [smem:$0x3FFE];
	_ =	sdelay $0x1  }
0x8a: {  	s1 =	srdreg.scid  }
0x8b: {  	s0 =	sand.u32 $0x1, s1  }
0x8c: {  	s17 =	sshll.u32 s0, $0xA;
	s2 =	sadd.s32 s3, s2  }
0x8d: {  	s2 =	sadd.s32 s2, s17  }
0x8e: {  	[smem:$0x3FC3] =	sst s2  }
0x8f: {  	_ = 	snop  }
0x90: {  	s2 =	sld [smem:$0x3FC8]  }
0x91: {  	s18 =	sld [smem:$0x3FD0];
	(tm) =	ssettm $0x1  }
0x92: {  	s4 =	sld [smem:$0x3FFB];
	_ =	sdelay $0x3  }
0x93: {  	_ =	strace s4  }
0x94: {  	s4 =	sld [smem:$0x3FFC];
	_ =	sdelay $0x3  }
0x95: {  	_ =	strace s4  }
0x96: {  	s4 =	sld [smem:$0x3FFD];
	_ =	sdelay $0x3  }
0x97: {  	_ =	strace s4  }
0x98: {  	_ =	strace $0x8FFFFFFF  }
0x99: {  	s19 =	sld [smem:$0x3FDB];
	_ =	sdelay $0x1  }
0x9a: {  	s5 =	simm.s32 $_scs_section_size  }
0x9b: {  	s6 =	simm.s32 $_size__tile_overlayer_lowered;
	s7 =	simm.s32 $_tile_overlayer_lowered  }
0x9c: {  	s22 =	simm.s32 $0x1BFF;
	s21 =	sshll.u32 s7, $0x1;
	s4 =	sadd.s32 s5, s19  }
0x9d: {  	s8 =	simm.s32 $0x0;
	s20 =	sshll.u32 s6, $0x1;
	s6 =	sadd.s32 s21, s4  }
0x9e: {  	[timem:s8], [sflag:s22] =	dma.local [hbm:s6], s20  }
0x9f: {  	_ =	swait.ge [sflag:s22], s20  }
0xa0: {  	s5 =	ssub.s32 $0x0, s20;
	[sflag:s22] =	ssyncset.done $0x0  }
0xa1: {  	[sflag:s22] =	ssyncadd.s32 s5;
	_ =	sdelay $0x1  }
0xa2: {  	s23 =	simm.s32 $0x1B8B  }
0xa3: {  	_ =	swait.ge [sflag:s23], $0x1  }
0xa4: {  	[sflag:s23] =	ssyncset.done $0x0  }
0xa5: {  	s25 =	simm.s32 $0x1B8E;
	s24 =	sld [smem:$0x3FFE];
	[sflag:s23] =	ssyncadd.s32 $0xFFFFFFFF  }
0xa6: {  	s26 =	simm.s32 $execute0_lowered;
	[smem:$0x3FD2] =	sst s25  }
0xa7: {  	s6 =	sshll.u32 s26, $0x1;
	_ =	strace $0x80000046;
	[dreg:$0x1] =	wrdreg $0xFFFFFFFF  }
0xa8: {  	s28 =	simm.s32 $_size_execute0_lowered;
	s4 =	sadd.s32 s4, s6;
	[dreg:$0x0] =	wrdreg $0x0  }
0xa9: {  	s6 =	sshll.u32 s28, $0x1;
	[dreg:$0x2] =	wrdreg s4  }
0xaa: {  	[dreg:$0x3] =	wrdreg s6  }
0xab: {  	[dreg:$0x4] =	wrdreg $0xC0  }
0xac: {  	_ =	task [dreg:s8], $0x5FFFF  }
0xad: {  	[dreg:$0x1] =	wrdreg $0xFFFFFFFF  }
0xae: {  	[dreg:$0x0] =	wrdreg $0x60  }
0xaf: {  	[dreg:$0x2] =	wrdreg s2  }
0xb0: {  	[dreg:$0x3] =	wrdreg s18  }
0xb1: {  	[dreg:$0x4] =	wrdreg s24  }
0xb2: {  	[dreg:$0x5] =	wrdreg $0x9  }
0xb3: {  	_ =	task.clear_ibuf [dreg:s8], $0x6FFFF;
	_ =	strace $0x90000046  }
0xb4: {  	s29 =	simm.s32 $0x9;
	_ =	strace $0x80000048  }
0xb5: {  	_ =	swait.ge [sflag:s29], $0x1  }
0xb6: {  	[sflag:s29] =	ssyncadd.s32 $0xFFFFFFFF  }
0xb7: {  	_ =	strace $0x90000048  }
0xb8: {  	_ =	sfence  }
0xb9: {  	s30 =	sld [smem:$0x0];
	_ =	sdelay $0x2  }
0xba: {  	s31 =	sshll.u32 s1, $0xD;
	s1 =	sshrl.u32 s1, $0x2  }
0xbb: {  	s3 =	sand.u32 $0x4000, s31;
	s1 =	sadd.s32 s1, s30  }
0xbc: {  	s0 =	sor.u32 s3, s0;
	s1 =	sshll.u32 s1, $0x11  }
0xbd: {  	s0 =	sor.u32 s1, s0  }
0xbe: {  	s0 =	sadd.s32 $0x8F2B, s0  }
0xbf: {  	[sflag:s0] =	ssyncadd.remote.s32 $0x1  }
0xc0: {  	_ =	sfence.sel $0xFFFF  }
0xc1: {  	[dreg:$0x0] =	wrdreg $0xFFFFFFFF;
	(pc) =	sbr.abs _section_cstart, $3  }
0xc2: {  	[dreg:$0x1] =	wrdreg $0xFFFFFFFF  }
0xc3: {  	_ =	task.clear_ibuf [dreg:s8], $0x2FFFF;
	_ =	strace $0x9FFFFFFF  }
0xc4: {  	(tm) =	ssettm $0x7FFFFFFF  }
0xc5: {  	_ =	shalt  }
tec
execute0_lowered:
.L_overlay_start_1:
0x0: {  	(tag) =	ssettag $0x1  }
0x1: {  	s1 =	rddreg [dreg:$0x0]  }
0x2: {  	s0 =	srdreg.scid;
	s2 =	rddreg [dreg:$0x1]  }
0x3: {  	s3 =	stileid.u32;
	s5 =	rddreg [dreg:$0x2]  }
0x4: {  	s13 =	simm.s32 $0x2;
	s14 =	simm.s32 $0x900;
	s15 =	simm.s32 $0x1100  }
0x5: {  	s16 =	simm.s32 $0x1900;
	s17 =	simm.s32 $0x2100;
	s28 =	simm.s32 $0x5900  }
0x6: {  	s10 =	simm.s32 $0x6100;
	s29 =	simm.s32 $0x6900;
	s30 =	simm.s32 $0x7100  }
0x7: {  	s31 =	simm.s32 $0x7900;
	s11 =	simm.s32 $0x9100;
	s12 =	simm.s32 $0x9900  }
0x8: {  	s8 =	simm.s32 $0xA100;
	s9 =	simm.s32 $0xA900;
	s0 =	sand.u32 $0x1, s0  }
0x9: {  	s3 =	sshll.u32 s3, $0x6;
	s5 =	sadd.s32 $0xA00, s5;
	s4 =	sshll.u32 s0, $0x5  }
0xa: {  	s0 =	ssub.s32 $0x2, s0;
	s4 =	sor.u32 s4, s3;
	s3 =	simm.s32 $0x0  }
0xb: {  	s23 =	sshrl.u32 s0, $0x1;
	s6 =	smul.u32 $0x300, s4;
	[smem:$0x7FF] =	sst s3  }
0xc: {  	s7 =	smul.u32 $0x1800, s4;
	s2 =	sadd.s32 s2, s4;
	s0 =	ssub.s32 s0, s23  }
0xd: {  	s23 =	simm.s32 $0xB100;
	_ =	strace $0x80000047;
	[dreg:$0x4] =	wrdreg s2  }
0xe: {  	s2 =	simm.s32 $0xC100;
	s6 =	sadd.s32 s5, s6;
	s19 =	sshrl.u32 s7, $0x3  }
0xf: {  	s7 =	smax.u32 s0, $0x1;
	s18 =	sadd.s32 $0xC00, s6;
	[dreg:$0xc] =	wrdreg s6  }
0x10: {  	s20 =	sadd.s32 $0x1800, s6;
	s4 =	sadd.s32 s5, s19;
	[dreg:$0x5] =	wrdreg s18  }
0x11: {  	s5 =	sadd.s32 $0x100, s1;
	[dreg:$0x6] =	wrdreg s20;
	s21 =	sadd.s32 $0x2400, s4  }
0x12: {  	s6 =	sadd.s32 $0x200, s1;
	s22 =	sadd.s32 $0x3000, s4;
	[dreg:$0x7] =	wrdreg s21  }
0x13: {  	s19 =	simm.s32 $0x3100;
	s24 =	sadd.s32 $0x3C00, s4;
	[dreg:$0x8] =	wrdreg s22  }
0x14: {  	s25 =	sadd.s32 $0x4800, s4;
	s26 =	sadd.s32 $0x5400, s4;
	[dreg:$0x9] =	wrdreg s24  }
0x15: {  	v2 =	vlaneseq.u32;
	s18 =	simm.s32 $0x2900;
	s20 =	simm.s32 $0x3900;
	[dreg:$0xa] =	wrdreg s25  }
0x16: {  	vm0 =	vmmov $0xffff;
	v1 =	vshrl.u32 v2, $0x3;
	[dreg:$0xb] =	wrdreg s26;
	s22 =	simm.s32 $0x1;
	s21 =	simm.s32 $0x100  }
0x17: {  	v0 =	vand.u32 $0x7, v2;
	v2 =	vor.u32 $0x8, v2;
	v1 =	vmul.u32 $0x8, v1;
	s24 =	simm.s32 $0x4100;
	s25 =	simm.s32 $0x4900;
	s26 =	simm.s32 $0x5100  }
.LBB2_1:
0x18: {  	s4 =	rddreg [dreg:$0x4];
	s0 =	simm.s32 $0x3  }
0x19: {  	[tilespmem:s3], [sflag:$0x3] =	stream.linear.gather [hbm4b:s4+s3], $0x100, $0x38;
	[tilespmem:$0x18100] =	vst v63  }
0x1a: {  	_ =	swait.ge [sflag:s0], $0x100  }
0x1b: {  	[sflag:s0] =	ssyncset.done $0x0  }
0x1c: {  	[sflag:s0] =	ssyncadd.s32 $0xFFFFFF00  }
0x1d: {  	v3 =	vld [tilespmem:$0x0];
	_ =	sdelay $0x4  }
0x1e: {  	v4 =	vshrl.u32 v3, $0x3  }
0x1f: {  	v4 =	vmul.u32 $0x30, v4  }
0x20: {  	v3 =	vand.u32 $0x7, v3  }
0x21: {  	v3 =	vor.u32 v3, v4  }
0x22: {  	v4 =	vperm.xlane v3, v0;
	_ =	sdelay $0x1  }
0x23: {  	v4 =	vadd.s32 v1, v4;
	_ =	sdelay $0x3  }
0x24: {  	v3 =	vperm.xlane v3, v2  }
0x25: {  	[tilespmem:s21], [sflag:$0x1] =	stream.indirect_vreg.gather [hbm4b:s1+s3], $0x80, v4, vm0, $0xb8;
	[tilespmem:$0x18100] =	vst v63  }
0x26: {  	v3 =	vadd.s32 v1, v3  }
0x27: {  	[tilespmem:s14], [sflag:$0x1] =	stream.indirect_vreg.gather [hbm4b:s5+s3], $0x80, v4, vm0, $0xb8;
	[tilespmem:$0x18100] =	vst v63  }
0x28: {  	_ = 	snop  }
0x29: {  	[tilespmem:s15], [sflag:$0x1] =	stream.indirect_vreg.gather [hbm4b:s6+s3], $0x80, v4, vm0, $0xb8;
	[tilespmem:$0x18100] =	vst v63  }
0x2a: {  	_ = 	snop  }
0x2b: {  	[tilespmem:s16], [sflag:$0x1] =	stream.indirect_vreg.gather [hbm4b:s1+s3], $0x80, v3, vm0, $0xb8;
	[tilespmem:$0x18100] =	vst v63  }
0x2c: {  	_ = 	snop  }
0x2d: {  	[tilespmem:s17], [sflag:$0x1] =	stream.indirect_vreg.gather [hbm4b:s5+s3], $0x80, v3, vm0, $0xb8;
	[tilespmem:$0x18100] =	vst v63  }
0x2e: {  	_ = 	snop  }
0x2f: {  	[tilespmem:s18], [sflag:$0x1] =	stream.indirect_vreg.gather [hbm4b:s6+s3], $0x80, v3, vm0, $0xb8;
	[tilespmem:$0x18100] =	vst v63  }
0x30: {  	v3 =	vld [tilespmem:$0x10];
	_ =	sdelay $0x4  }
0x31: {  	v49 =	vshrl.u32 v3, $0x3  }
0x32: {  	v4 =	vmul.u32 $0x30, v49  }
0x33: {  	v3 =	vand.u32 $0x7, v3  }
0x34: {  	v3 =	vor.u32 v3, v4  }
0x35: {  	v4 =	vperm.xlane v3, v0;
	_ =	sdelay $0x1  }
0x36: {  	v4 =	vadd.s32 v1, v4;
	_ =	sdelay $0x3  }
0x37: {  	v3 =	vperm.xlane v3, v2  }
0x38: {  	[tilespmem:s19], [sflag:$0x1] =	stream.indirect_vreg.gather [hbm4b:s1+s3], $0x80, v4, vm0, $0xb8;
	[tilespmem:$0x18100] =	vst v63  }
0x39: {  	v3 =	vadd.s32 v1, v3  }
0x3a: {  	[tilespmem:s20], [sflag:$0x1] =	stream.indirect_vreg.gather [hbm4b:s5+s3], $0x80, v4, vm0, $0xb8;
	[tilespmem:$0x18100] =	vst v63  }
0x3b: {  	_ = 	snop  }
0x3c: {  	[tilespmem:s24], [sflag:$0x1] =	stream.indirect_vreg.gather [hbm4b:s6+s3], $0x80, v4, vm0, $0xb8;
	[tilespmem:$0x18100] =	vst v63  }
0x3d: {  	_ = 	snop  }
0x3e: {  	[tilespmem:s25], [sflag:$0x1] =	stream.indirect_vreg.gather [hbm4b:s1+s3], $0x80, v3, vm0, $0xb8;
	[tilespmem:$0x18100] =	vst v63  }
0x3f: {  	_ = 	snop  }
0x40: {  	[tilespmem:s26], [sflag:$0x1] =	stream.indirect_vreg.gather [hbm4b:s5+s3], $0x80, v3, vm0, $0xb8;
	[tilespmem:$0x18100] =	vst v63  }
0x41: {  	_ = 	snop  }
0x42: {  	[tilespmem:s28], [sflag:$0x1] =	stream.indirect_vreg.gather [hbm4b:s6+s3], $0x80, v3, vm0, $0xb8;
	[tilespmem:$0x18100] =	vst v63  }
0x43: {  	v3 =	vld [tilespmem:$0x20];
	_ =	sdelay $0x4  }
0x44: {  	v50 =	vshrl.u32 v3, $0x3  }
0x45: {  	v4 =	vmul.u32 $0x30, v50  }
0x46: {  	v3 =	vand.u32 $0x7, v3  }
0x47: {  	v3 =	vor.u32 v3, v4  }
0x48: {  	v4 =	vperm.xlane v3, v0;
	_ =	sdelay $0x1  }
0x49: {  	v4 =	vadd.s32 v1, v4;
	_ =	sdelay $0x3  }
0x4a: {  	v3 =	vperm.xlane v3, v2  }
0x4b: {  	[tilespmem:s10], [sflag:$0x1] =	stream.indirect_vreg.gather [hbm4b:s1+s3], $0x80, v4, vm0, $0xb8;
	[tilespmem:$0x18100] =	vst v63  }
0x4c: {  	v3 =	vadd.s32 v1, v3  }
0x4d: {  	[tilespmem:s29], [sflag:$0x1] =	stream.indirect_vreg.gather [hbm4b:s5+s3], $0x80, v4, vm0, $0xb8;
	[tilespmem:$0x18100] =	vst v63  }
0x4e: {  	_ = 	snop  }
0x4f: {  	[tilespmem:s30], [sflag:$0x1] =	stream.indirect_vreg.gather [hbm4b:s6+s3], $0x80, v4, vm0, $0xb8;
	[tilespmem:$0x18100] =	vst v63  }
0x50: {  	_ = 	snop  }
0x51: {  	[tilespmem:s31], [sflag:$0x1] =	stream.indirect_vreg.gather [hbm4b:s1+s3], $0x80, v3, vm0, $0xb8;
	[tilespmem:$0x18100] =	vst v63  }
0x52: {  	s4 =	simm.s32 $0x8100  }
0x53: {  	[tilespmem:s4], [sflag:$0x1] =	stream.indirect_vreg.gather [hbm4b:s5+s3], $0x80, v3, vm0, $0xb8;
	[tilespmem:$0x18100] =	vst v63  }
0x54: {  	s4 =	simm.s32 $0x8900  }
0x55: {  	[tilespmem:s4], [sflag:$0x1] =	stream.indirect_vreg.gather [hbm4b:s6+s3], $0x80, v3, vm0, $0xb8;
	[tilespmem:$0x18100] =	vst v63  }
0x56: {  	v3 =	vld [tilespmem:$0x30];
	_ =	sdelay $0x4  }
0x57: {  	v51 =	vshrl.u32 v3, $0x3  }
0x58: {  	v4 =	vmul.u32 $0x30, v51  }
0x59: {  	v3 =	vand.u32 $0x7, v3  }
0x5a: {  	v3 =	vor.u32 v3, v4  }
0x5b: {  	v4 =	vperm.xlane v3, v0;
	_ =	sdelay $0x1  }
0x5c: {  	v4 =	vadd.s32 v1, v4;
	_ =	sdelay $0x3  }
0x5d: {  	v3 =	vperm.xlane v3, v2  }
0x5e: {  	[tilespmem:s11], [sflag:$0x1] =	stream.indirect_vreg.gather [hbm4b:s1+s3], $0x80, v4, vm0, $0xb8;
	[tilespmem:$0x18100] =	vst v63  }
0x5f: {  	v3 =	vadd.s32 v1, v3  }
0x60: {  	[tilespmem:s12], [sflag:$0x1] =	stream.indirect_vreg.gather [hbm4b:s5+s3], $0x80, v4, vm0, $0xb8;
	[tilespmem:$0x18100] =	vst v63  }
0x61: {  	_ = 	snop  }
0x62: {  	[tilespmem:s8], [sflag:$0x1] =	stream.indirect_vreg.gather [hbm4b:s6+s3], $0x80, v4, vm0, $0xb8;
	[tilespmem:$0x18100] =	vst v63  }
0x63: {  	_ = 	snop  }
0x64: {  	[tilespmem:s9], [sflag:$0x1] =	stream.indirect_vreg.gather [hbm4b:s1+s3], $0x80, v3, vm0, $0xb8;
	[tilespmem:$0x18100] =	vst v63  }
0x65: {  	_ = 	snop  }
0x66: {  	[tilespmem:s23], [sflag:$0x1] =	stream.indirect_vreg.gather [hbm4b:s5+s3], $0x80, v3, vm0, $0xb8;
	[tilespmem:$0x18100] =	vst v63  }
0x67: {  	s4 =	simm.s32 $0xB900  }
0x68: {  	[tilespmem:s4], [sflag:$0x1] =	stream.indirect_vreg.gather [hbm4b:s6+s3], $0x80, v3, vm0, $0xb8;
	[tilespmem:$0x18100] =	vst v63  }
0x69: {  	v3 =	vld [tilespmem:$0x40];
	_ =	sdelay $0x4  }
0x6a: {  	v52 =	vshrl.u32 v3, $0x3  }
0x6b: {  	v4 =	vmul.u32 $0x30, v52  }
0x6c: {  	v3 =	vand.u32 $0x7, v3  }
0x6d: {  	v3 =	vor.u32 v3, v4  }
0x6e: {  	v4 =	vperm.xlane v3, v0;
	_ =	sdelay $0x1  }
0x6f: {  	v4 =	vadd.s32 v1, v4;
	_ =	sdelay $0x3  }
0x70: {  	v3 =	vperm.xlane v3, v2  }
0x71: {  	[tilespmem:s2], [sflag:$0x1] =	stream.indirect_vreg.gather [hbm4b:s1+s3], $0x80, v4, vm0, $0xb8;
	[tilespmem:$0x18100] =	vst v63  }
0x72: {  	s4 =	simm.s32 $0xC900;
	v3 =	vadd.s32 v1, v3  }
0x73: {  	[tilespmem:s4], [sflag:$0x1] =	stream.indirect_vreg.gather [hbm4b:s5+s3], $0x80, v4, vm0, $0xb8;
	[tilespmem:$0x18100] =	vst v63  }
0x74: {  	s4 =	simm.s32 $0xD100  }
0x75: {  	[tilespmem:s4], [sflag:$0x1] =	stream.indirect_vreg.gather [hbm4b:s6+s3], $0x80, v4, vm0, $0xb8;
	[tilespmem:$0x18100] =	vst v63  }
0x76: {  	s4 =	simm.s32 $0xD900  }
0x77: {  	[tilespmem:s4], [sflag:$0x1] =	stream.indirect_vreg.gather [hbm4b:s1+s3], $0x80, v3, vm0, $0xb8;
	[tilespmem:$0x18100] =	vst v63  }
0x78: {  	s4 =	simm.s32 $0xE100  }
0x79: {  	[tilespmem:s4], [sflag:$0x1] =	stream.indirect_vreg.gather [hbm4b:s5+s3], $0x80, v3, vm0, $0xb8;
	[tilespmem:$0x18100] =	vst v63  }
0x7a: {  	s4 =	simm.s32 $0xE900  }
0x7b: {  	[tilespmem:s4], [sflag:$0x1] =	stream.indirect_vreg.gather [hbm4b:s6+s3], $0x80, v3, vm0, $0xb8;
	[tilespmem:$0x18100] =	vst v63  }
0x7c: {  	v3 =	vld [tilespmem:$0x50];
	_ =	sdelay $0x4  }
0x7d: {  	v53 =	vshrl.u32 v3, $0x3  }
0x7e: {  	v4 =	vmul.u32 $0x30, v53  }
0x7f: {  	v3 =	vand.u32 $0x7, v3  }
0x80: {  	v3 =	vor.u32 v3, v4  }
0x81: {  	v4 =	vperm.xlane v3, v0;
	_ =	sdelay $0x1  }
0x82: {  	v4 =	vadd.s32 v1, v4;
	_ =	sdelay $0x3  }
0x83: {  	s4 =	simm.s32 $0xF100;
	v3 =	vperm.xlane v3, v2  }
0x84: {  	[tilespmem:s4], [sflag:$0x1] =	stream.indirect_vreg.gather [hbm4b:s1+s3], $0x80, v4, vm0, $0xb8;
	[tilespmem:$0x18100] =	vst v63  }
0x85: {  	v3 =	vadd.s32 v1, v3;
	s4 =	simm.s32 $0xF900  }
0x86: {  	[tilespmem:s4], [sflag:$0x1] =	stream.indirect_vreg.gather [hbm4b:s5+s3], $0x80, v4, vm0, $0xb8;
	[tilespmem:$0x18100] =	vst v63  }
0x87: {  	s4 =	simm.s32 $0x10100  }
0x88: {  	[tilespmem:s4], [sflag:$0x1] =	stream.indirect_vreg.gather [hbm4b:s6+s3], $0x80, v4, vm0, $0xb8;
	[tilespmem:$0x18100] =	vst v63  }
0x89: {  	s4 =	simm.s32 $0x10900  }
0x8a: {  	[tilespmem:s4], [sflag:$0x1] =	stream.indirect_vreg.gather [hbm4b:s1+s3], $0x80, v3, vm0, $0xb8;
	[tilespmem:$0x18100] =	vst v63  }
0x8b: {  	s4 =	simm.s32 $0x11100  }
0x8c: {  	[tilespmem:s4], [sflag:$0x1] =	stream.indirect_vreg.gather [hbm4b:s5+s3], $0x80, v3, vm0, $0xb8;
	[tilespmem:$0x18100] =	vst v63  }
0x8d: {  	s4 =	simm.s32 $0x11900  }
0x8e: {  	[tilespmem:s4], [sflag:$0x1] =	stream.indirect_vreg.gather [hbm4b:s6+s3], $0x80, v3, vm0, $0xb8;
	[tilespmem:$0x18100] =	vst v63  }
0x8f: {  	_ =	swait.ge [sflag:s22], $0x6000  }
0x90: {  	[sflag:s22] =	ssyncset.done $0x0  }
0x91: {  	s0 =	rddreg [dreg:$0xc];
	[sflag:s22] =	ssyncadd.s32 $0xFFFFA000  }
0x92: {  	[hbm4b:s0+s3] =	stream.linear.scatter [tilespmem:s21], [sflag:$0x2], $0x6000, $0x38;
	[tilespmem:$0x18100] =	vst v63  }
0x93: {  	v3 =	vld [tilespmem:$0x60];
	_ =	sdelay $0x4  }
0x94: {  	v54 =	vshrl.u32 v3, $0x3  }
0x95: {  	v4 =	vmul.u32 $0x30, v54  }
0x96: {  	v3 =	vand.u32 $0x7, v3  }
0x97: {  	v3 =	vor.u32 v3, v4  }
0x98: {  	v4 =	vperm.xlane v3, v0;
	_ =	sdelay $0x1  }
0x99: {  	v4 =	vadd.s32 v1, v4;
	_ =	sdelay $0x3  }
0x9a: {  	s0 =	simm.s32 $0x12100;
	v3 =	vperm.xlane v3, v2  }
0x9b: {  	[tilespmem:s0], [sflag:$0x1] =	stream.indirect_vreg.gather [hbm4b:s1+s3], $0x80, v4, vm0, $0xb8;
	[tilespmem:$0x18100] =	vst v63  }
0x9c: {  	s4 =	simm.s32 $0x12900;
	v3 =	vadd.s32 v1, v3  }
0x9d: {  	[tilespmem:s4], [sflag:$0x1] =	stream.indirect_vreg.gather [hbm4b:s5+s3], $0x80, v4, vm0, $0xb8;
	[tilespmem:$0x18100] =	vst v63  }
0x9e: {  	s4 =	simm.s32 $0x13100  }
0x9f: {  	[tilespmem:s4], [sflag:$0x1] =	stream.indirect_vreg.gather [hbm4b:s6+s3], $0x80, v4, vm0, $0xb8;
	[tilespmem:$0x18100] =	vst v63  }
0xa0: {  	s4 =	simm.s32 $0x13900  }
0xa1: {  	[tilespmem:s4], [sflag:$0x1] =	stream.indirect_vreg.gather [hbm4b:s1+s3], $0x80, v3, vm0, $0xb8;
	[tilespmem:$0x18100] =	vst v63  }
0xa2: {  	s4 =	simm.s32 $0x14100  }
0xa3: {  	[tilespmem:s4], [sflag:$0x1] =	stream.indirect_vreg.gather [hbm4b:s5+s3], $0x80, v3, vm0, $0xb8;
	[tilespmem:$0x18100] =	vst v63  }
0xa4: {  	s4 =	simm.s32 $0x14900  }
0xa5: {  	[tilespmem:s4], [sflag:$0x1] =	stream.indirect_vreg.gather [hbm4b:s6+s3], $0x80, v3, vm0, $0xb8;
	[tilespmem:$0x18100] =	vst v63  }
0xa6: {  	v3 =	vld [tilespmem:$0x70];
	_ =	sdelay $0x4  }
0xa7: {  	v55 =	vshrl.u32 v3, $0x3  }
0xa8: {  	v4 =	vmul.u32 $0x30, v55  }
0xa9: {  	v3 =	vand.u32 $0x7, v3  }
0xaa: {  	v3 =	vor.u32 v3, v4  }
0xab: {  	v4 =	vperm.xlane v3, v0;
	_ =	sdelay $0x1  }
0xac: {  	v4 =	vadd.s32 v1, v4;
	_ =	sdelay $0x3  }
0xad: {  	s4 =	simm.s32 $0x15100;
	v3 =	vperm.xlane v3, v2  }
0xae: {  	[tilespmem:s4], [sflag:$0x1] =	stream.indirect_vreg.gather [hbm4b:s1+s3], $0x80, v4, vm0, $0xb8;
	[tilespmem:$0x18100] =	vst v63  }
0xaf: {  	v3 =	vadd.s32 v1, v3;
	s4 =	simm.s32 $0x15900  }
0xb0: {  	[tilespmem:s4], [sflag:$0x1] =	stream.indirect_vreg.gather [hbm4b:s5+s3], $0x80, v4, vm0, $0xb8;
	[tilespmem:$0x18100] =	vst v63  }
0xb1: {  	s4 =	simm.s32 $0x16100  }
0xb2: {  	[tilespmem:s4], [sflag:$0x1] =	stream.indirect_vreg.gather [hbm4b:s6+s3], $0x80, v4, vm0, $0xb8;
	[tilespmem:$0x18100] =	vst v63  }
0xb3: {  	s4 =	simm.s32 $0x16900  }
0xb4: {  	[tilespmem:s4], [sflag:$0x1] =	stream.indirect_vreg.gather [hbm4b:s1+s3], $0x80, v3, vm0, $0xb8;
	[tilespmem:$0x18100] =	vst v63  }
0xb5: {  	s4 =	simm.s32 $0x17100  }
0xb6: {  	[tilespmem:s4], [sflag:$0x1] =	stream.indirect_vreg.gather [hbm4b:s5+s3], $0x80, v3, vm0, $0xb8;
	[tilespmem:$0x18100] =	vst v63  }
0xb7: {  	s4 =	simm.s32 $0x17900  }
0xb8: {  	[tilespmem:s4], [sflag:$0x1] =	stream.indirect_vreg.gather [hbm4b:s6+s3], $0x80, v3, vm0, $0xb8;
	[tilespmem:$0x18100] =	vst v63  }
0xb9: {  	_ =	swait.ge [sflag:s22], $0x6000  }
0xba: {  	[sflag:s22] =	ssyncset.done $0x0  }
0xbb: {  	s4 =	rddreg [dreg:$0x5];
	[sflag:s22] =	ssyncadd.s32 $0xFFFFA000  }
0xbc: {  	[hbm4b:s4+s3] =	stream.linear.scatter [tilespmem:s10], [sflag:$0x2], $0x6000, $0x38;
	[tilespmem:$0x18100] =	vst v63  }
0xbd: {  	_ =	swait.ge [sflag:s13], $0x6000  }
0xbe: {  	[sflag:s13] =	ssyncset.done $0x0  }
0xbf: {  	[sflag:s13] =	ssyncadd.s32 $0xFFFFA000  }
0xc0: {  	v3 =	vld [tilespmem:$0x80];
	_ =	sdelay $0x4  }
0xc1: {  	v56 =	vshrl.u32 v3, $0x3  }
0xc2: {  	v4 =	vmul.u32 $0x30, v56  }
0xc3: {  	v3 =	vand.u32 $0x7, v3  }
0xc4: {  	v3 =	vor.u32 v3, v4  }
0xc5: {  	v4 =	vperm.xlane v3, v0;
	_ =	sdelay $0x1  }
0xc6: {  	v4 =	vadd.s32 v1, v4;
	_ =	sdelay $0x3  }
0xc7: {  	v3 =	vperm.xlane v3, v2  }
0xc8: {  	[tilespmem:s21], [sflag:$0x1] =	stream.indirect_vreg.gather [hbm4b:s1+s3], $0x80, v4, vm0, $0xb8;
	[tilespmem:$0x18100] =	vst v63  }
0xc9: {  	v3 =	vadd.s32 v1, v3  }
0xca: {  	[tilespmem:s14], [sflag:$0x1] =	stream.indirect_vreg.gather [hbm4b:s5+s3], $0x80, v4, vm0, $0xb8;
	[tilespmem:$0x18100] =	vst v63  }
0xcb: {  	_ = 	snop  }
0xcc: {  	[tilespmem:s15], [sflag:$0x1] =	stream.indirect_vreg.gather [hbm4b:s6+s3], $0x80, v4, vm0, $0xb8;
	[tilespmem:$0x18100] =	vst v63  }
0xcd: {  	_ = 	snop  }
0xce: {  	[tilespmem:s16], [sflag:$0x1] =	stream.indirect_vreg.gather [hbm4b:s1+s3], $0x80, v3, vm0, $0xb8;
	[tilespmem:$0x18100] =	vst v63  }
0xcf: {  	_ = 	snop  }
0xd0: {  	[tilespmem:s17], [sflag:$0x1] =	stream.indirect_vreg.gather [hbm4b:s5+s3], $0x80, v3, vm0, $0xb8;
	[tilespmem:$0x18100] =	vst v63  }
0xd1: {  	_ = 	snop  }
0xd2: {  	[tilespmem:s18], [sflag:$0x1] =	stream.indirect_vreg.gather [hbm4b:s6+s3], $0x80, v3, vm0, $0xb8;
	[tilespmem:$0x18100] =	vst v63  }
0xd3: {  	v3 =	vld [tilespmem:$0x90];
	_ =	sdelay $0x4  }
0xd4: {  	v57 =	vshrl.u32 v3, $0x3  }
0xd5: {  	v4 =	vmul.u32 $0x30, v57  }
0xd6: {  	v3 =	vand.u32 $0x7, v3  }
0xd7: {  	v3 =	vor.u32 v3, v4  }
0xd8: {  	v4 =	vperm.xlane v3, v0;
	_ =	sdelay $0x1  }
0xd9: {  	v4 =	vadd.s32 v1, v4;
	_ =	sdelay $0x3  }
0xda: {  	v3 =	vperm.xlane v3, v2  }
0xdb: {  	[tilespmem:s19], [sflag:$0x1] =	stream.indirect_vreg.gather [hbm4b:s1+s3], $0x80, v4, vm0, $0xb8;
	[tilespmem:$0x18100] =	vst v63  }
0xdc: {  	v3 =	vadd.s32 v1, v3  }
0xdd: {  	[tilespmem:s20], [sflag:$0x1] =	stream.indirect_vreg.gather [hbm4b:s5+s3], $0x80, v4, vm0, $0xb8;
	[tilespmem:$0x18100] =	vst v63  }
0xde: {  	_ = 	snop  }
0xdf: {  	[tilespmem:s24], [sflag:$0x1] =	stream.indirect_vreg.gather [hbm4b:s6+s3], $0x80, v4, vm0, $0xb8;
	[tilespmem:$0x18100] =	vst v63  }
0xe0: {  	_ = 	snop  }
0xe1: {  	[tilespmem:s25], [sflag:$0x1] =	stream.indirect_vreg.gather [hbm4b:s1+s3], $0x80, v3, vm0, $0xb8;
	[tilespmem:$0x18100] =	vst v63  }
0xe2: {  	_ = 	snop  }
0xe3: {  	[tilespmem:s26], [sflag:$0x1] =	stream.indirect_vreg.gather [hbm4b:s5+s3], $0x80, v3, vm0, $0xb8;
	[tilespmem:$0x18100] =	vst v63  }
0xe4: {  	_ = 	snop  }
0xe5: {  	[tilespmem:s28], [sflag:$0x1] =	stream.indirect_vreg.gather [hbm4b:s6+s3], $0x80, v3, vm0, $0xb8;
	[tilespmem:$0x18100] =	vst v63  }
0xe6: {  	_ =	swait.ge [sflag:s22], $0x6000  }
0xe7: {  	[sflag:s22] =	ssyncset.done $0x0  }
0xe8: {  	s4 =	rddreg [dreg:$0x6];
	[sflag:s22] =	ssyncadd.s32 $0xFFFFA000  }
0xe9: {  	[hbm4b:s4+s3] =	stream.linear.scatter [tilespmem:s2], [sflag:$0x2], $0x6000, $0x38;
	[tilespmem:$0x18100] =	vst v63  }
0xea: {  	_ =	swait.ge [sflag:s13], $0x6000  }
0xeb: {  	[sflag:s13] =	ssyncset.done $0x0  }
0xec: {  	[sflag:s13] =	ssyncadd.s32 $0xFFFFA000  }
0xed: {  	v3 =	vld [tilespmem:$0xA0];
	_ =	sdelay $0x4  }
0xee: {  	v58 =	vshrl.u32 v3, $0x3  }
0xef: {  	v4 =	vmul.u32 $0x30, v58  }
0xf0: {  	v3 =	vand.u32 $0x7, v3  }
0xf1: {  	v3 =	vor.u32 v3, v4  }
0xf2: {  	v4 =	vperm.xlane v3, v0;
	_ =	sdelay $0x1  }
0xf3: {  	v4 =	vadd.s32 v1, v4;
	_ =	sdelay $0x3  }
0xf4: {  	v3 =	vperm.xlane v3, v2  }
0xf5: {  	[tilespmem:s10], [sflag:$0x1] =	stream.indirect_vreg.gather [hbm4b:s1+s3], $0x80, v4, vm0, $0xb8;
	[tilespmem:$0x18100] =	vst v63  }
0xf6: {  	v3 =	vadd.s32 v1, v3  }
0xf7: {  	[tilespmem:s29], [sflag:$0x1] =	stream.indirect_vreg.gather [hbm4b:s5+s3], $0x80, v4, vm0, $0xb8;
	[tilespmem:$0x18100] =	vst v63  }
0xf8: {  	_ = 	snop  }
0xf9: {  	[tilespmem:s30], [sflag:$0x1] =	stream.indirect_vreg.gather [hbm4b:s6+s3], $0x80, v4, vm0, $0xb8;
	[tilespmem:$0x18100] =	vst v63  }
0xfa: {  	_ = 	snop  }
0xfb: {  	[tilespmem:s31], [sflag:$0x1] =	stream.indirect_vreg.gather [hbm4b:s1+s3], $0x80, v3, vm0, $0xb8;
	[tilespmem:$0x18100] =	vst v63  }
0xfc: {  	s4 =	simm.s32 $0x8100  }
0xfd: {  	[tilespmem:s4], [sflag:$0x1] =	stream.indirect_vreg.gather [hbm4b:s5+s3], $0x80, v3, vm0, $0xb8;
	[tilespmem:$0x18100] =	vst v63  }
0xfe: {  	s4 =	simm.s32 $0x8900  }
0xff: {  	[tilespmem:s4], [sflag:$0x1] =	stream.indirect_vreg.gather [hbm4b:s6+s3], $0x80, v3, vm0, $0xb8;
	[tilespmem:$0x18100] =	vst v63  }
0x100: {  	v3 =	vld [tilespmem:$0xB0];
	_ =	sdelay $0x4  }
0x101: {  	v59 =	vshrl.u32 v3, $0x3  }
0x102: {  	v4 =	vmul.u32 $0x30, v59  }
0x103: {  	v3 =	vand.u32 $0x7, v3  }
0x104: {  	v3 =	vor.u32 v3, v4  }
0x105: {  	v4 =	vperm.xlane v3, v0;
	_ =	sdelay $0x1  }
0x106: {  	v4 =	vadd.s32 v1, v4;
	_ =	sdelay $0x3  }
0x107: {  	v3 =	vperm.xlane v3, v2  }
0x108: {  	[tilespmem:s11], [sflag:$0x1] =	stream.indirect_vreg.gather [hbm4b:s1+s3], $0x80, v4, vm0, $0xb8;
	[tilespmem:$0x18100] =	vst v63  }
0x109: {  	v3 =	vadd.s32 v1, v3  }
0x10a: {  	[tilespmem:s12], [sflag:$0x1] =	stream.indirect_vreg.gather [hbm4b:s5+s3], $0x80, v4, vm0, $0xb8;
	[tilespmem:$0x18100] =	vst v63  }
0x10b: {  	_ = 	snop  }
0x10c: {  	[tilespmem:s8], [sflag:$0x1] =	stream.indirect_vreg.gather [hbm4b:s6+s3], $0x80, v4, vm0, $0xb8;
	[tilespmem:$0x18100] =	vst v63  }
0x10d: {  	_ = 	snop  }
0x10e: {  	[tilespmem:s9], [sflag:$0x1] =	stream.indirect_vreg.gather [hbm4b:s1+s3], $0x80, v3, vm0, $0xb8;
	[tilespmem:$0x18100] =	vst v63  }
0x10f: {  	_ = 	snop  }
0x110: {  	[tilespmem:s23], [sflag:$0x1] =	stream.indirect_vreg.gather [hbm4b:s5+s3], $0x80, v3, vm0, $0xb8;
	[tilespmem:$0x18100] =	vst v63  }
0x111: {  	s4 =	simm.s32 $0xB900  }
0x112: {  	[tilespmem:s4], [sflag:$0x1] =	stream.indirect_vreg.gather [hbm4b:s6+s3], $0x80, v3, vm0, $0xb8;
	[tilespmem:$0x18100] =	vst v63  }
0x113: {  	_ =	swait.ge [sflag:s22], $0x6000  }
0x114: {  	[sflag:s22] =	ssyncset.done $0x0  }
0x115: {  	s4 =	rddreg [dreg:$0x7];
	[sflag:s22] =	ssyncadd.s32 $0xFFFFA000  }
0x116: {  	[hbm4b:s4+s3] =	stream.linear.scatter [tilespmem:s0], [sflag:$0x2], $0x6000, $0x38;
	[tilespmem:$0x18100] =	vst v63  }
0x117: {  	_ =	swait.ge [sflag:s13], $0x6000  }
0x118: {  	[sflag:s13] =	ssyncset.done $0x0  }
0x119: {  	[sflag:s13] =	ssyncadd.s32 $0xFFFFA000  }
0x11a: {  	v3 =	vld [tilespmem:$0xC0];
	_ =	sdelay $0x4  }
0x11b: {  	v60 =	vshrl.u32 v3, $0x3  }
0x11c: {  	v4 =	vmul.u32 $0x30, v60  }
0x11d: {  	v3 =	vand.u32 $0x7, v3  }
0x11e: {  	v3 =	vor.u32 v3, v4  }
0x11f: {  	v4 =	vperm.xlane v3, v0;
	_ =	sdelay $0x1  }
0x120: {  	v4 =	vadd.s32 v1, v4;
	_ =	sdelay $0x3  }
0x121: {  	v3 =	vperm.xlane v3, v2  }
0x122: {  	[tilespmem:s2], [sflag:$0x1] =	stream.indirect_vreg.gather [hbm4b:s1+s3], $0x80, v4, vm0, $0xb8;
	[tilespmem:$0x18100] =	vst v63  }
0x123: {  	s4 =	simm.s32 $0xC900;
	v3 =	vadd.s32 v1, v3  }
0x124: {  	[tilespmem:s4], [sflag:$0x1] =	stream.indirect_vreg.gather [hbm4b:s5+s3], $0x80, v4, vm0, $0xb8;
	[tilespmem:$0x18100] =	vst v63  }
0x125: {  	s4 =	simm.s32 $0xD100  }
0x126: {  	[tilespmem:s4], [sflag:$0x1] =	stream.indirect_vreg.gather [hbm4b:s6+s3], $0x80, v4, vm0, $0xb8;
	[tilespmem:$0x18100] =	vst v63  }
0x127: {  	s4 =	simm.s32 $0xD900  }
0x128: {  	[tilespmem:s4], [sflag:$0x1] =	stream.indirect_vreg.gather [hbm4b:s1+s3], $0x80, v3, vm0, $0xb8;
	[tilespmem:$0x18100] =	vst v63  }
0x129: {  	s4 =	simm.s32 $0xE100  }
0x12a: {  	[tilespmem:s4], [sflag:$0x1] =	stream.indirect_vreg.gather [hbm4b:s5+s3], $0x80, v3, vm0, $0xb8;
	[tilespmem:$0x18100] =	vst v63  }
0x12b: {  	s4 =	simm.s32 $0xE900  }
0x12c: {  	[tilespmem:s4], [sflag:$0x1] =	stream.indirect_vreg.gather [hbm4b:s6+s3], $0x80, v3, vm0, $0xb8;
	[tilespmem:$0x18100] =	vst v63  }
0x12d: {  	v3 =	vld [tilespmem:$0xD0];
	_ =	sdelay $0x4  }
0x12e: {  	v61 =	vshrl.u32 v3, $0x3  }
0x12f: {  	v4 =	vmul.u32 $0x30, v61  }
0x130: {  	v3 =	vand.u32 $0x7, v3  }
0x131: {  	v3 =	vor.u32 v3, v4  }
0x132: {  	v4 =	vperm.xlane v3, v0;
	_ =	sdelay $0x1  }
0x133: {  	v4 =	vadd.s32 v1, v4;
	_ =	sdelay $0x3  }
0x134: {  	s4 =	simm.s32 $0xF100;
	v3 =	vperm.xlane v3, v2  }
0x135: {  	[tilespmem:s4], [sflag:$0x1] =	stream.indirect_vreg.gather [hbm4b:s1+s3], $0x80, v4, vm0, $0xb8;
	[tilespmem:$0x18100] =	vst v63  }
0x136: {  	v3 =	vadd.s32 v1, v3;
	s4 =	simm.s32 $0xF900  }
0x137: {  	[tilespmem:s4], [sflag:$0x1] =	stream.indirect_vreg.gather [hbm4b:s5+s3], $0x80, v4, vm0, $0xb8;
	[tilespmem:$0x18100] =	vst v63  }
0x138: {  	s4 =	simm.s32 $0x10100  }
0x139: {  	[tilespmem:s4], [sflag:$0x1] =	stream.indirect_vreg.gather [hbm4b:s6+s3], $0x80, v4, vm0, $0xb8;
	[tilespmem:$0x18100] =	vst v63  }
0x13a: {  	s4 =	simm.s32 $0x10900  }
0x13b: {  	[tilespmem:s4], [sflag:$0x1] =	stream.indirect_vreg.gather [hbm4b:s1+s3], $0x80, v3, vm0, $0xb8;
	[tilespmem:$0x18100] =	vst v63  }
0x13c: {  	s4 =	simm.s32 $0x11100  }
0x13d: {  	[tilespmem:s4], [sflag:$0x1] =	stream.indirect_vreg.gather [hbm4b:s5+s3], $0x80, v3, vm0, $0xb8;
	[tilespmem:$0x18100] =	vst v63  }
0x13e: {  	s4 =	simm.s32 $0x11900  }
0x13f: {  	[tilespmem:s4], [sflag:$0x1] =	stream.indirect_vreg.gather [hbm4b:s6+s3], $0x80, v3, vm0, $0xb8;
	[tilespmem:$0x18100] =	vst v63  }
0x140: {  	_ =	swait.ge [sflag:s22], $0x6000  }
0x141: {  	[sflag:s22] =	ssyncset.done $0x0  }
0x142: {  	s4 =	rddreg [dreg:$0x8];
	[sflag:s22] =	ssyncadd.s32 $0xFFFFA000  }
0x143: {  	[hbm4b:s4+s3] =	stream.linear.scatter [tilespmem:s21], [sflag:$0x2], $0x6000, $0x38;
	[tilespmem:$0x18100] =	vst v63  }
0x144: {  	_ =	swait.ge [sflag:s13], $0x6000  }
0x145: {  	[sflag:s13] =	ssyncset.done $0x0  }
0x146: {  	[sflag:s13] =	ssyncadd.s32 $0xFFFFA000  }
0x147: {  	v3 =	vld [tilespmem:$0xE0];
	_ =	sdelay $0x4  }
0x148: {  	v62 =	vshrl.u32 v3, $0x3  }
0x149: {  	v4 =	vmul.u32 $0x30, v62  }
0x14a: {  	v3 =	vand.u32 $0x7, v3  }
0x14b: {  	v3 =	vor.u32 v3, v4  }
0x14c: {  	v4 =	vperm.xlane v3, v0;
	_ =	sdelay $0x1  }
0x14d: {  	v4 =	vadd.s32 v1, v4;
	_ =	sdelay $0x3  }
0x14e: {  	v3 =	vperm.xlane v3, v2  }
0x14f: {  	[tilespmem:s0], [sflag:$0x1] =	stream.indirect_vreg.gather [hbm4b:s1+s3], $0x80, v4, vm0, $0xb8;
	[tilespmem:$0x18100] =	vst v63  }
0x150: {  	s4 =	simm.s32 $0x12900;
	v3 =	vadd.s32 v1, v3  }
0x151: {  	[tilespmem:s4], [sflag:$0x1] =	stream.indirect_vreg.gather [hbm4b:s5+s3], $0x80, v4, vm0, $0xb8;
	[tilespmem:$0x18100] =	vst v63  }
0x152: {  	s4 =	simm.s32 $0x13100  }
0x153: {  	[tilespmem:s4], [sflag:$0x1] =	stream.indirect_vreg.gather [hbm4b:s6+s3], $0x80, v4, vm0, $0xb8;
	[tilespmem:$0x18100] =	vst v63  }
0x154: {  	s4 =	simm.s32 $0x13900  }
0x155: {  	[tilespmem:s4], [sflag:$0x1] =	stream.indirect_vreg.gather [hbm4b:s1+s3], $0x80, v3, vm0, $0xb8;
	[tilespmem:$0x18100] =	vst v63  }
0x156: {  	s4 =	simm.s32 $0x14100  }
0x157: {  	[tilespmem:s4], [sflag:$0x1] =	stream.indirect_vreg.gather [hbm4b:s5+s3], $0x80, v3, vm0, $0xb8;
	[tilespmem:$0x18100] =	vst v63  }
0x158: {  	s4 =	simm.s32 $0x14900  }
0x159: {  	[tilespmem:s4], [sflag:$0x1] =	stream.indirect_vreg.gather [hbm4b:s6+s3], $0x80, v3, vm0, $0xb8;
	[tilespmem:$0x18100] =	vst v63  }
0x15a: {  	v3 =	vld [tilespmem:$0xF0];
	_ =	sdelay $0x4  }
0x15b: {  	v63 =	vshrl.u32 v3, $0x3  }
0x15c: {  	v4 =	vmul.u32 $0x30, v63  }
0x15d: {  	v3 =	vand.u32 $0x7, v3  }
0x15e: {  	v3 =	vor.u32 v3, v4  }
0x15f: {  	v4 =	vperm.xlane v3, v0;
	_ =	sdelay $0x1  }
0x160: {  	v4 =	vadd.s32 v1, v4;
	_ =	sdelay $0x3  }
0x161: {  	s4 =	simm.s32 $0x15100;
	v3 =	vperm.xlane v3, v2  }
0x162: {  	[tilespmem:s4], [sflag:$0x1] =	stream.indirect_vreg.gather [hbm4b:s1+s3], $0x80, v4, vm0, $0xb8;
	[tilespmem:$0x18100] =	vst v63  }
0x163: {  	v3 =	vadd.s32 v1, v3;
	s4 =	simm.s32 $0x15900  }
0x164: {  	[tilespmem:s4], [sflag:$0x1] =	stream.indirect_vreg.gather [hbm4b:s5+s3], $0x80, v4, vm0, $0xb8;
	[tilespmem:$0x18100] =	vst v63  }
0x165: {  	s4 =	simm.s32 $0x16100  }
0x166: {  	[tilespmem:s4], [sflag:$0x1] =	stream.indirect_vreg.gather [hbm4b:s6+s3], $0x80, v4, vm0, $0xb8;
	[tilespmem:$0x18100] =	vst v63  }
0x167: {  	s4 =	simm.s32 $0x16900  }
0x168: {  	[tilespmem:s4], [sflag:$0x1] =	stream.indirect_vreg.gather [hbm4b:s1+s3], $0x80, v3, vm0, $0xb8;
	[tilespmem:$0x18100] =	vst v63  }
0x169: {  	s4 =	simm.s32 $0x17100  }
0x16a: {  	[tilespmem:s4], [sflag:$0x1] =	stream.indirect_vreg.gather [hbm4b:s5+s3], $0x80, v3, vm0, $0xb8;
	[tilespmem:$0x18100] =	vst v63  }
0x16b: {  	s4 =	simm.s32 $0x17900  }
0x16c: {  	[tilespmem:s4], [sflag:$0x1] =	stream.indirect_vreg.gather [hbm4b:s6+s3], $0x80, v3, vm0, $0xb8;
	[tilespmem:$0x18100] =	vst v63  }
0x16d: {  	_ =	swait.ge [sflag:s22], $0x6000  }
0x16e: {  	[sflag:s22] =	ssyncset.done $0x0  }
0x16f: {  	s4 =	rddreg [dreg:$0x9];
	[sflag:s22] =	ssyncadd.s32 $0xFFFFA000  }
0x170: {  	[hbm4b:s4+s3] =	stream.linear.scatter [tilespmem:s10], [sflag:$0x2], $0x6000, $0x38;
	[tilespmem:$0x18100] =	vst v63  }
0x171: {  	_ =	swait.ge [sflag:s22], $0x6000  }
0x172: {  	[sflag:s22] =	ssyncset.done $0x0  }
0x173: {  	s4 =	rddreg [dreg:$0xa];
	[sflag:s22] =	ssyncadd.s32 $0xFFFFA000  }
0x174: {  	[hbm4b:s4+s3] =	stream.linear.scatter [tilespmem:s2], [sflag:$0x2], $0x6000, $0x38;
	[tilespmem:$0x18100] =	vst v63  }
0x175: {  	_ =	swait.ge [sflag:s22], $0x6000  }
0x176: {  	[sflag:s22] =	ssyncset.done $0x0  }
0x177: {  	s4 =	rddreg [dreg:$0xb];
	[sflag:s22] =	ssyncadd.s32 $0xFFFFA000  }
0x178: {  	[hbm4b:s4+s3] =	stream.linear.scatter [tilespmem:s0], [sflag:$0x2], $0x6000, $0x38;
	[tilespmem:$0x18100] =	vst v63  }
0x179: {  	_ =	swait.ge [sflag:s13], $0x6000  }
0x17a: {  	[sflag:s13] =	ssyncset.done $0x0  }
0x17b: {  	[sflag:s13] =	ssyncadd.s32 $0xFFFFA000  }
0x17c: {  	_ =	swait.ge [sflag:s13], $0x6000  }
0x17d: {  	[sflag:s13] =	ssyncset.done $0x0  }
0x17e: {  	[sflag:s13] =	ssyncadd.s32 $0xFFFFA000  }
0x17f: {  	p0 =	sne.s32 s7, $0x1;
	_ =	swait.ge [sflag:s13], $0x6000  }
.Ltmp0:
0x180: {  	[sflag:s13] =	ssyncset.done $0x0;
	(pc) =	sbr.rel @p0 .LBB2_1-.Ltmp0, $4  }
0x181: {  	[sflag:s13] =	ssyncadd.s32 $0xFFFFA000  }
0x182: {  	_ =	swait.ge [sflag:s13], $0x6000  }
0x183: {  	[sflag:s13] =	ssyncset.done $0x0  }
0x184: {  	s7 =	sadd.s32 $0xFFFFFFFF, s7;
	[sflag:s13] =	ssyncadd.s32 $0xFFFFA000  }
0x185: {  	_ =	sfence.sel $0x180000  }
0x186: {  	[bflag:$0x0] =	sbarrier.arrive $0xFFFF  }
0x187: {  	_ =	strace $0x90000047  }
0x188: {  	s0 =	stileid.u32;
	[bflag:$0x2] =	sbarrier.arrive $0xFFFF  }
0x189: {  	p0 =	sne.s32 s0, $0x0;
	s0 =	rddreg [dreg:$0x3]  }
0x18a: {  	s0 =	sadd.s32 @!p0 $0x100000, s0  }
0x18b: {  	[sflag:s0] =	ssyncadd.tile.s32 @!p0 $0x1;
	_ =	shalt  }
.Lfunc_end2:
_tile_overlayer_lowered:
.L_overlay_start_2:
0x18c: {  	(tag) =	ssettag $0x2  }
0x18d: {  	s0 =	rddreg [dreg:$0x0];
	s2 =	stileid.u32  }
0x18e: {  	s1 =	rddreg [dreg:$0x1];
	p0 =	sne.s32 s2, $0x0  }
0x18f: {  	s3 =	rddreg [dreg:$0x2];
	[bflag:$0x3] =	sbarrier.arrive $0xFFFF;
	s2 =	simm.s32 @!p0 $0x1C03  }
0x190: {  	[timem:s3], [sflag:s2] =	dma.local @!p0 [hbm:s0], s1  }
0x191: {  	s0 =	simm.s32 @!p0 $0x3  }
0x192: {  	_ =	swait.ge @!p0 [sflag:s0], s1  }
0x193: {  	s1 =	ssub.s32 @!p0 $0x0, s1;
	[sflag:s0] =	ssyncset.done @!p0 $0x0  }
0x194: {  	[sflag:s0] =	ssyncadd.s32 @!p0 s1  }
0x195: {  	[bflag:$0x3] =	sbarrier.arrive $0xFFFF  }
0x196: {  	_ =	shalt  }

</sc_bundles>
